<compile_context>
chip_gen: v7x
topology: tpu7x:2x2x1
jax: 0.10.2.dev20260603
libtpu: 0.0.44.dev20260713+nightly
codegen_flags: <defaults>
</compile_context>

<pallas_src>
import functools

import jax
import jax.numpy as jnp
from jax import lax
from jax.experimental import pallas as pl
from jax.experimental.pallas import tpu as pltpu
from jax.experimental.pallas import tpu_sc as plsc

ALPHA = 0.1
CHUNK = 128
PAD_ROWS = 128


def _sc_segment_partials(inp, cidx3d, N):
    D = inp.shape[1]
    info = plsc.get_sparse_core_info()
    NC, NS = info.num_cores, info.num_subcores
    NW = NC * NS
    CPT = cidx3d.shape[1]
    NG = CPT // 2
    NP = N + PAD_ROWS
    rpt = ((N // NS) // 8) * 8
    extra = NP - NS * rpt
    n_full = rpt // CHUNK
    n_rem = rpt % CHUNK

    mesh = plsc.VectorSubcoreMesh(core_axis_name="c", subcore_axis_name="s")

    @functools.partial(
        pl.kernel,
        out_type=jax.ShapeDtypeStruct((NC, N, D), jnp.float32),
        mesh=mesh,
        scratch_types=[
            pltpu.VMEM_SHARED((NP, D), jnp.float32),
            pltpu.VMEM((CPT, CHUNK), jnp.int32),
            pltpu.VMEM((CHUNK,), jnp.int32),
            pltpu.VMEM((CHUNK,), jnp.int32),
            pltpu.VMEM((CHUNK,), jnp.int32),
            pltpu.VMEM((CHUNK,), jnp.int32),
            pltpu.VMEM((CHUNK, D), jnp.float32),
            pltpu.VMEM((CHUNK, D), jnp.float32),
            pltpu.SemaphoreType.DMA,
            pltpu.SemaphoreType.DMA,
        ],
    )
    def k(inp_hbm, cidx_hbm, out_hbm, acc, cidx,
          si0, si1, di0, di1, rows0, rows1, sem0, sem1):
        c = lax.axis_index("c")
        s = lax.axis_index("s")
        w = s * NC + c
        bufs = ((si0, di0, rows0, sem0), (si1, di1, rows1, sem1))

        cidx_load = pltpu.async_copy(cidx_hbm.at[w], cidx, sem1)
        zero = jnp.zeros((16,), jnp.float32)

        def zero_body(i, carry):
            for jcol in range(D // 16):
                rows0[i, pl.ds(jcol * 16, 16)] = zero
            return carry

        lax.fori_loop(0, CHUNK, zero_body, 0)
        r0 = s * rpt
        zcs = []
        for j in range(n_full):
            zcs.append(
                pltpu.async_copy(rows0, acc.at[pl.ds(r0 + j * CHUNK, CHUNK)], sem0)
            )
        if n_rem:
            zcs.append(
                pltpu.async_copy(
                    rows0.at[pl.ds(0, n_rem)],
                    acc.at[pl.ds(r0 + n_full * CHUNK, n_rem)],
                    sem0,
                )
            )

        @pl.when(s == NS - 1)
        def _():
            done = 0
            while done < extra:
                step = min(CHUNK, extra - done)
                pltpu.sync_copy(
                    rows0.at[pl.ds(0, step)],
                    acc.at[pl.ds(NS * rpt + done, step)],
                )
                done += step

        for d in zcs:
            d.wait()
        cidx_load.wait()
        plsc.subcore_barrier()


        def load_idx(j, si_b, di_b):
            for kk in range(CHUNK // 16):
                sl = pl.ds(kk * 16, 16)
                v = cidx[j, sl]
                si_b[sl] = v & 0xFFFF
                di_b[sl] = lax.shift_right_logical(v, 16)

        load_idx(0, si0, di0)
        pltpu.async_copy(inp_hbm.at[si0], rows0, sem0)

        def edge_body(g, carry):
            j0 = 2 * g
            for b in range(2):
                j = j0 + b
                si_b, di_b, rows_b, sem_b = bufs[b]
                si_n, di_n, rows_n, sem_n = bufs[1 - b]

                def start_next():
                    load_idx(j + 1, si_n, di_n)
                    pltpu.async_copy(inp_hbm.at[si_n], rows_n, sem_n)

                if b == 0:
                    start_next()
                else:
                    pl.when(g < NG - 1)(start_next)
                pltpu.make_async_copy(inp_hbm.at[si_b], rows_b, sem_b).wait()
                pltpu.sync_copy(rows_b, acc.at[di_b], add=True)
            return carry

        lax.fori_loop(0, NG, edge_body, 0)
        plsc.subcore_barrier()

        wb = [(r0 + j * CHUNK, CHUNK) for j in range(n_full)]
        if n_rem:
            wb.append((r0 + n_full * CHUNK, n_rem))
        rbufs = (rows0, rows1)
        wsems = (sem0, sem1)
        prev = [None, None]
        for kk, (row, nrows) in enumerate(wb):
            b = kk % 2
            if prev[b] is not None:
                prow, pn = prev[b]
                pltpu.make_async_copy(
                    rbufs[b].at[pl.ds(0, pn)],
                    out_hbm.at[c, pl.ds(prow, pn)],
                    wsems[b],
                ).wait()
            pltpu.sync_copy(acc.at[pl.ds(row, nrows)], rbufs[b].at[pl.ds(0, nrows)])
            pltpu.async_copy(
                rbufs[b].at[pl.ds(0, nrows)],
                out_hbm.at[c, pl.ds(row, nrows)],
                wsems[b],
            )
            prev[b] = (row, nrows)
        for b in (0, 1):
            if prev[b] is not None:
                prow, pn = prev[b]
                pltpu.make_async_copy(
                    rbufs[b].at[pl.ds(0, pn)],
                    out_hbm.at[c, pl.ds(prow, pn)],
                    wsems[b],
                ).wait()

        n_tail = N - NS * rpt
        if n_tail > 0:

            @pl.when(s == NS - 1)
            def _():
                pltpu.sync_copy(
                    acc.at[pl.ds(NS * rpt, n_tail)], rows0.at[pl.ds(0, n_tail)]
                )
                pltpu.sync_copy(
                    rows0.at[pl.ds(0, n_tail)],
                    out_hbm.at[c, pl.ds(NS * rpt, n_tail)],
                )

    return k(inp, cidx3d)


def _blend(partials, input_emb):
    N, D = input_emb.shape
    BR = 1000
    grid = (N // BR,)

    def body(p0_ref, p1_ref, emb_ref, o_ref):
        o_ref[...] = (1.0 - ALPHA) * (p0_ref[...] + p1_ref[...]) + ALPHA * emb_ref[...]

    spec = pl.BlockSpec((BR, D), lambda i: (i, 0))
    return pl.pallas_call(
        body,
        grid=grid,
        in_specs=[spec, spec, spec],
        out_specs=spec,
        out_shape=jax.ShapeDtypeStruct((N, D), jnp.float32),
    )(partials[0], partials[1], input_emb)


def kernel(input, edge_index, input_emb, W):
    N = input.shape[0]
    E = edge_index.shape[1]
    NW = 32
    cpt = -(-E // (CHUNK * NW))
    cpt += cpt % 2
    e_pad = cpt * NW * CHUNK
    ei = edge_index.astype(jnp.int32)
    n_pad = e_pad - E
    pad_iota = jnp.arange(n_pad, dtype=jnp.int32)
    src = jnp.concatenate([ei[1], pad_iota % N])
    dst = jnp.concatenate([ei[0], N + (pad_iota % PAD_ROWS)])
    cidx3d = ((dst << 16) | src).reshape(NW, -1, CHUNK)
    partials = _sc_segment_partials(input, cidx3d, N)
    return _blend(partials, input_emb)

# --- scband reference (transcript-rebuilt; emitter-appended) ---
"""Pipeline reference for scband-aggr-layer-46179488367338 (READ-ONLY COPY).

The authoritative reference and input builder live on the scoring server;
editing this copy changes nothing except your own understanding.
"""

import jax, jax.numpy as jnp
import numpy as np

N = 10000
E = 320000
D = 128
ALPHA = 0.1

def setup_inputs(seed: int = 0) -> dict:
    key = jax.random.key(seed)
    k1, k2, k3, k4 = jax.random.split(key, 4)
    inp = jax.random.normal(k1, (N, D), dtype=jnp.float32)
    edge_index = jax.random.randint(k2, (2, E), 0, N, dtype=jnp.int64)
    input_emb = jax.random.normal(k3, (N, D), dtype=jnp.float32)
    stdv = 1.0 / np.sqrt(D)
    W = jax.random.uniform(k4, (D, D), dtype=jnp.float32, minval=-stdv, maxval=stdv)
    return {"input": inp, "edge_index": edge_index, "input_emb": input_emb, "W": W}

def reference(input, edge_index, input_emb, W):
    # torch.spmm(adj, input) with adj given as unweighted COO edge_index [2, E]:
    # row i of output = sum over edges (i <- j) of input[j]
    src = edge_index[1]  # column index j (gathered)
    dst = edge_index[0]  # row index i (scattered)
    gathered = jnp.take(input, src, axis=0)
    x = jax.ops.segment_sum(gathered, dst, num_segments=input.shape[0])
    # weight W is a registered parameter but is unused in the original forward
    return (1.0 - ALPHA) * x + ALPHA * input_emb

if __name__ == "__main__":
    import jax
    _d = setup_inputs()
    print(jax.jit(kernel)(*tuple(_d.values())))

</pallas_src>

<mosaic_0001>
#map = affine_map<(d0, d1) -> (0, 0)>
#map1 = affine_map<(d0, d1) -> (0, 0, 0)>
module attributes {stable_mosaic.version = 14 : i64} {
  func.func @k(%arg0: i32, %arg1: i32, %arg2: memref<10000x128xf32, #tpu.memory_space<hbm>>, %arg3: memref<32x80x128xi32, #tpu.memory_space<hbm>>, %arg4: memref<2x10000x128xf32, #tpu.memory_space<hbm>>, %arg5: memref<10128x128xf32, #tpu.memory_space<vmem_shared>>, %arg6: memref<80x128xi32, #tpu.memory_space<vmem>>, %arg7: memref<128xi32, #tpu.memory_space<vmem>>, %arg8: memref<128xi32, #tpu.memory_space<vmem>>, %arg9: memref<128xi32, #tpu.memory_space<vmem>>, %arg10: memref<128xi32, #tpu.memory_space<vmem>>, %arg11: memref<128x128xf32, #tpu.memory_space<vmem>>, %arg12: memref<128x128xf32, #tpu.memory_space<vmem>>, %arg13: memref<!tpu.dma_semaphore, #tpu.memory_space<semaphore_mem>>, %arg14: memref<!tpu.dma_semaphore, #tpu.memory_space<semaphore_mem>>) attributes {dimension_semantics = [#tpu.dimension_semantics<core_parallel>, #tpu.dimension_semantics<subcore_parallel>], iteration_bounds = array<i64: 2, 16>, scalar_prefetch = 0 : i64, scratch_operands = 10 : i64, tpu.core_type = #tpu.core_type<sc_vector_subcore>, window_params = [{transform_indices = #map}, {transform_indices = #map1}, {transform_indices = #map1}]} {
    %mul3A = arith.constant 2 : i32
    %mul3A_0 = arith.muli %arg1, %mul3A : i32
    %add3A = arith.addi %mul3A_0, %arg0 : i32
    %dma_start3A = arith.constant 0 : i32
    %dma_start3A_1 = arith.constant 0 : i32
    %dma_start3A_2 = tpu.memref_slice %arg3[%add3A, %dma_start3A, %dma_start3A_1] : memref<32x80x128xi32, #tpu.memory_space<hbm>> -> memref<1x80x128xi32, #tpu.memory_space<hbm>>
    %dma_start3A_3 = tpu.memref_squeeze %dma_start3A_2 : memref<1x80x128xi32, #tpu.memory_space<hbm>> -> memref<80x128xi32, #tpu.memory_space<hbm>>
    %dma_start3A_4 = arith.constant 0 : i32
    %dma_start3A_5 = arith.constant 0 : i32
    %dma_start3A_6 = tpu.memref_slice %arg3[%add3A, %dma_start3A_4, %dma_start3A_5] : memref<32x80x128xi32, #tpu.memory_space<hbm>> -> memref<1x80x128xi32, #tpu.memory_space<hbm>>
    %dma_start3A_7 = tpu.memref_squeeze %dma_start3A_6 : memref<1x80x128xi32, #tpu.memory_space<hbm>> -> memref<80x128xi32, #tpu.memory_space<hbm>>
    tpu.enqueue_dma source(%dma_start3A_7 : memref<80x128xi32, #tpu.memory_space<hbm>>) target(%arg6 : memref<80x128xi32, #tpu.memory_space<vmem>>) target_semaphore(%arg14 : memref<!tpu.dma_semaphore, #tpu.memory_space<semaphore_mem>>)
    %broadcast_in_dim3A = arith.constant 0.000000e+00 : f32
    %broadcast_in_dim3A_8 = vector.broadcast %broadcast_in_dim3A : f32 to vector<16xf32>
    %scan3A = arith.constant 0 : i32
    %scan3A_9 = arith.constant 0 : i32
    %scan3A_10 = arith.constant 128 : i32
    %scan3A_11 = arith.addi %scan3A_9, %scan3A_10 : i32
    %scan3A_12 = arith.constant 1 : i32
    scf.for %scan3A_380 = %scan3A_9 to %scan3A_11 step %scan3A_12  : i32 {
      %swap3A_381 = arith.index_cast %scan3A_380 : i32 to index
      %swap3A_382 = arith.constant 0 : index
      %swap3A_383 = tpu.vector_load %arg11[%swap3A_381, %swap3A_382] {strides = array<i32>} : memref<128x128xf32, #tpu.memory_space<vmem>>, vector<1x16xf32>,
      %swap3A_384 = vector.shape_cast %swap3A_383 : vector<1x16xf32> to vector<16xf32>
      %swap3A_385 = vector.shape_cast %broadcast_in_dim3A_8 : vector<16xf32> to vector<1x16xf32>
      tpu.vector_store %arg11[%swap3A_381, %swap3A_382], %swap3A_385 {strides = array<i32>} : memref<128x128xf32, #tpu.memory_space<vmem>>, vector<1x16xf32>,
      %swap3A_386 = arith.index_cast %scan3A_380 : i32 to index
      %swap3A_387 = arith.constant 16 : index
      %swap3A_388 = tpu.vector_load %arg11[%swap3A_386, %swap3A_387] {strides = array<i32>} : memref<128x128xf32, #tpu.memory_space<vmem>>, vector<1x16xf32>,
      %swap3A_389 = vector.shape_cast %swap3A_388 : vector<1x16xf32> to vector<16xf32>
      %swap3A_390 = vector.shape_cast %broadcast_in_dim3A_8 : vector<16xf32> to vector<1x16xf32>
      tpu.vector_store %arg11[%swap3A_386, %swap3A_387], %swap3A_390 {strides = array<i32>} : memref<128x128xf32, #tpu.memory_space<vmem>>, vector<1x16xf32>,
      %swap3A_391 = arith.index_cast %scan3A_380 : i32 to index
      %swap3A_392 = arith.constant 32 : index
      %swap3A_393 = tpu.vector_load %arg11[%swap3A_391, %swap3A_392] {strides = array<i32>} : memref<128x128xf32, #tpu.memory_space<vmem>>, vector<1x16xf32>,
      %swap3A_394 = vector.shape_cast %swap3A_393 : vector<1x16xf32> to vector<16xf32>
      %swap3A_395 = vector.shape_cast %broadcast_in_dim3A_8 : vector<16xf32> to vector<1x16xf32>
      tpu.vector_store %arg11[%swap3A_391, %swap3A_392], %swap3A_395 {strides = array<i32>} : memref<128x128xf32, #tpu.memory_space<vmem>>, vector<1x16xf32>,
      %swap3A_396 = arith.index_cast %scan3A_380 : i32 to index
      %swap3A_397 = arith.constant 48 : index
      %swap3A_398 = tpu.vector_load %arg11[%swap3A_396, %swap3A_397] {strides = array<i32>} : memref<128x128xf32, #tpu.memory_space<vmem>>, vector<1x16xf32>,
      %swap3A_399 = vector.shape_cast %swap3A_398 : vector<1x16xf32> to vector<16xf32>
      %swap3A_400 = vector.shape_cast %broadcast_in_dim3A_8 : vector<16xf32> to vector<1x16xf32>
      tpu.vector_store %arg11[%swap3A_396, %swap3A_397], %swap3A_400 {strides = array<i32>} : memref<128x128xf32, #tpu.memory_space<vmem>>, vector<1x16xf32>,
      %swap3A_401 = arith.index_cast %scan3A_380 : i32 to index
      %swap3A_402 = arith.constant 64 : index
      %swap3A_403 = tpu.vector_load %arg11[%swap3A_401, %swap3A_402] {strides = array<i32>} : memref<128x128xf32, #tpu.memory_space<vmem>>, vector<1x16xf32>,
      %swap3A_404 = vector.shape_cast %swap3A_403 : vector<1x16xf32> to vector<16xf32>
      %swap3A_405 = vector.shape_cast %broadcast_in_dim3A_8 : vector<16xf32> to vector<1x16xf32>
      tpu.vector_store %arg11[%swap3A_401, %swap3A_402], %swap3A_405 {strides = array<i32>} : memref<128x128xf32, #tpu.memory_space<vmem>>, vector<1x16xf32>,
      %swap3A_406 = arith.index_cast %scan3A_380 : i32 to index
      %swap3A_407 = arith.constant 80 : index
      %swap3A_408 = tpu.vector_load %arg11[%swap3A_406, %swap3A_407] {strides = array<i32>} : memref<128x128xf32, #tpu.memory_space<vmem>>, vector<1x16xf32>,
      %swap3A_409 = vector.shape_cast %swap3A_408 : vector<1x16xf32> to vector<16xf32>
      %swap3A_410 = vector.shape_cast %broadcast_in_dim3A_8 : vector<16xf32> to vector<1x16xf32>
      tpu.vector_store %arg11[%swap3A_406, %swap3A_407], %swap3A_410 {strides = array<i32>} : memref<128x128xf32, #tpu.memory_space<vmem>>, vector<1x16xf32>,
      %swap3A_411 = arith.index_cast %scan3A_380 : i32 to index
      %swap3A_412 = arith.constant 96 : index
      %swap3A_413 = tpu.vector_load %arg11[%swap3A_411, %swap3A_412] {strides = array<i32>} : memref<128x128xf32, #tpu.memory_space<vmem>>, vector<1x16xf32>,
      %swap3A_414 = vector.shape_cast %swap3A_413 : vector<1x16xf32> to vector<16xf32>
      %swap3A_415 = vector.shape_cast %broadcast_in_dim3A_8 : vector<16xf32> to vector<1x16xf32>
      tpu.vector_store %arg11[%swap3A_411, %swap3A_412], %swap3A_415 {strides = array<i32>} : memref<128x128xf32, #tpu.memory_space<vmem>>, vector<1x16xf32>,
      %swap3A_416 = arith.index_cast %scan3A_380 : i32 to index
      %swap3A_417 = arith.constant 112 : index
      %swap3A_418 = tpu.vector_load %arg11[%swap3A_416, %swap3A_417] {strides = array<i32>} : memref<128x128xf32, #tpu.memory_space<vmem>>, vector<1x16xf32>,
      %swap3A_419 = vector.shape_cast %swap3A_418 : vector<1x16xf32> to vector<16xf32>
      %swap3A_420 = vector.shape_cast %broadcast_in_dim3A_8 : vector<16xf32> to vector<1x16xf32>
      tpu.vector_store %arg11[%swap3A_416, %swap3A_417], %swap3A_420 {strides = array<i32>} : memref<128x128xf32, #tpu.memory_space<vmem>>, vector<1x16xf32>,
    }
    %scan3A_13 = arith.constant 128 : i32
    %mul3A_14 = arith.constant 624 : i32
    %mul3A_15 = arith.muli %arg1, %mul3A_14 : i32
    %add3A_16 = arith.constant 0 : i32
    %add3A_17 = arith.addi %mul3A_15, %add3A_16 : i32
    %dma_start3A_18 = arith.constant 0 : i32
    %dma_start3A_19 = tpu.memref_slice %arg5[%add3A_17, %dma_start3A_18] : memref<10128x128xf32, #tpu.memory_space<vmem_shared>> -> memref<128x128xf32, #tpu.memory_space<vmem_shared>>
    %dma_start3A_20 = arith.constant 0 : i32
    %dma_start3A_21 = tpu.memref_slice %arg5[%add3A_17, %dma_start3A_20] : memref<10128x128xf32, #tpu.memory_space<vmem_shared>> -> memref<128x128xf32, #tpu.memory_space<vmem_shared>>
    tpu.enqueue_dma source(%arg11 : memref<128x128xf32, #tpu.memory_space<vmem>>) target(%dma_start3A_21 : memref<128x128xf32, #tpu.memory_space<vmem_shared>>) target_semaphore(%arg13 : memref<!tpu.dma_semaphore, #tpu.memory_space<semaphore_mem>>)
    %add3A_22 = arith.constant 128 : i32
    %add3A_23 = arith.addi %mul3A_15, %add3A_22 : i32
    %dma_start3A_24 = arith.constant 0 : i32
    %dma_start3A_25 = tpu.memref_slice %arg5[%add3A_23, %dma_start3A_24] : memref<10128x128xf32, #tpu.memory_space<vmem_shared>> -> memref<128x128xf32, #tpu.memory_space<vmem_shared>>
    %dma_start3A_26 = arith.constant 0 : i32
    %dma_start3A_27 = tpu.memref_slice %arg5[%add3A_23, %dma_start3A_26] : memref<10128x128xf32, #tpu.memory_space<vmem_shared>> -> memref<128x128xf32, #tpu.memory_space<vmem_shared>>
    tpu.enqueue_dma source(%arg11 : memref<128x128xf32, #tpu.memory_space<vmem>>) target(%dma_start3A_27 : memref<128x128xf32, #tpu.memory_space<vmem_shared>>) target_semaphore(%arg13 : memref<!tpu.dma_semaphore, #tpu.memory_space<semaphore_mem>>)
    %add3A_28 = arith.constant 256 : i32
    %add3A_29 = arith.addi %mul3A_15, %add3A_28 : i32
    %dma_start3A_30 = arith.constant 0 : i32
    %dma_start3A_31 = tpu.memref_slice %arg5[%add3A_29, %dma_start3A_30] : memref<10128x128xf32, #tpu.memory_space<vmem_shared>> -> memref<128x128xf32, #tpu.memory_space<vmem_shared>>
    %dma_start3A_32 = arith.constant 0 : i32
    %dma_start3A_33 = tpu.memref_slice %arg5[%add3A_29, %dma_start3A_32] : memref<10128x128xf32, #tpu.memory_space<vmem_shared>> -> memref<128x128xf32, #tpu.memory_space<vmem_shared>>
    tpu.enqueue_dma source(%arg11 : memref<128x128xf32, #tpu.memory_space<vmem>>) target(%dma_start3A_33 : memref<128x128xf32, #tpu.memory_space<vmem_shared>>) target_semaphore(%arg13 : memref<!tpu.dma_semaphore, #tpu.memory_space<semaphore_mem>>)
    %add3A_34 = arith.constant 384 : i32
    %add3A_35 = arith.addi %mul3A_15, %add3A_34 : i32
    %dma_start3A_36 = arith.constant 0 : i32
    %dma_start3A_37 = tpu.memref_slice %arg5[%add3A_35, %dma_start3A_36] : memref<10128x128xf32, #tpu.memory_space<vmem_shared>> -> memref<128x128xf32, #tpu.memory_space<vmem_shared>>
    %dma_start3A_38 = arith.constant 0 : i32
    %dma_start3A_39 = tpu.memref_slice %arg5[%add3A_35, %dma_start3A_38] : memref<10128x128xf32, #tpu.memory_space<vmem_shared>> -> memref<128x128xf32, #tpu.memory_space<vmem_shared>>
    tpu.enqueue_dma source(%arg11 : memref<128x128xf32, #tpu.memory_space<vmem>>) target(%dma_start3A_39 : memref<128x128xf32, #tpu.memory_space<vmem_shared>>) target_semaphore(%arg13 : memref<!tpu.dma_semaphore, #tpu.memory_space<semaphore_mem>>)
    %add3A_40 = arith.constant 512 : i32
    %add3A_41 = arith.addi %mul3A_15, %add3A_40 : i32
    %dma_start3A_42 = arith.constant 0 : i32
    %dma_start3A_43 = arith.constant 0 : i32
    %dma_start3A_44 = tpu.memref_slice %arg11[%dma_start3A_42, %dma_start3A_43] : memref<128x128xf32, #tpu.memory_space<vmem>> -> memref<112x128xf32, #tpu.memory_space<vmem>>
    %dma_start3A_45 = arith.constant 0 : i32
    %dma_start3A_46 = tpu.memref_slice %arg5[%add3A_41, %dma_start3A_45] : memref<10128x128xf32, #tpu.memory_space<vmem_shared>> -> memref<112x128xf32, #tpu.memory_space<vmem_shared>>
    %dma_start3A_47 = arith.constant 0 : i32
    %dma_start3A_48 = tpu.memref_slice %arg5[%add3A_41, %dma_start3A_47] : memref<10128x128xf32, #tpu.memory_space<vmem_shared>> -> memref<112x128xf32, #tpu.memory_space<vmem_shared>>
    %dma_start3A_49 = arith.constant 0 : i32
    %dma_start3A_50 = arith.constant 0 : i32
    %dma_start3A_51 = tpu.memref_slice %arg11[%dma_start3A_49, %dma_start3A_50] : memref<128x128xf32, #tpu.memory_space<vmem>> -> memref<112x128xf32, #tpu.memory_space<vmem>>
    tpu.enqueue_dma source(%dma_start3A_51 : memref<112x128xf32, #tpu.memory_space<vmem>>) target(%dma_start3A_48 : memref<112x128xf32, #tpu.memory_space<vmem_shared>>) target_semaphore(%arg13 : memref<!tpu.dma_semaphore, #tpu.memory_space<semaphore_mem>>)
    %eq3A = arith.constant 15 : i32
    %eq3A_52 = arith.cmpi eq, %arg1, %eq3A : i32
    %convert_element_type3A = arith.extui %eq3A_52 : i1 to i32
    %cond3A = arith.constant 0 : i32
    %cond3A_53 = arith.cmpi ne, %convert_element_type3A, %cond3A : i32
    scf.if %cond3A_53 {
      "tpu.region"() ({
        %run_scoped3A = tpu.sem_alloc : memref<!tpu.dma_semaphore, #tpu.memory_space<semaphore_mem>>
        %dma_start3A_380 = arith.constant 0 : i32
        %dma_start3A_381 = arith.constant 0 : i32
        %dma_start3A_382 = tpu.memref_slice %arg11[%dma_start3A_380, %dma_start3A_381] : memref<128x128xf32, #tpu.memory_space<vmem>> -> memref<128x128xf32, #tpu.memory_space<vmem>>
        %dma_start3A_383 = arith.constant 9984 : i32
        %dma_start3A_384 = arith.constant 0 : i32
        %dma_start3A_385 = tpu.memref_slice %arg5[%dma_start3A_383, %dma_start3A_384] : memref<10128x128xf32, #tpu.memory_space<vmem_shared>> -> memref<128x128xf32, #tpu.memory_space<vmem_shared>>
        %dma_start3A_386 = arith.constant 9984 : i32
        %dma_start3A_387 = arith.constant 0 : i32
        %dma_start3A_388 = tpu.memref_slice %arg5[%dma_start3A_386, %dma_start3A_387] : memref<10128x128xf32, #tpu.memory_space<vmem_shared>> -> memref<128x128xf32, #tpu.memory_space<vmem_shared>>
        %dma_start3A_389 = arith.constant 0 : i32
        %dma_start3A_390 = arith.constant 0 : i32
        %dma_start3A_391 = tpu.memref_slice %arg11[%dma_start3A_389, %dma_start3A_390] : memref<128x128xf32, #tpu.memory_space<vmem>> -> memref<128x128xf32, #tpu.memory_space<vmem>>
        tpu.enqueue_dma source(%dma_start3A_391 : memref<128x128xf32, #tpu.memory_space<vmem>>) target(%dma_start3A_388 : memref<128x128xf32, #tpu.memory_space<vmem_shared>>) target_semaphore(%run_scoped3A : memref<!tpu.dma_semaphore, #tpu.memory_space<semaphore_mem>>)
        %dma_wait3A_392 = arith.constant 0 : i32
        %dma_wait3A_393 = arith.constant 0 : i32
        %dma_wait3A_394 = tpu.memref_slice %arg11[%dma_wait3A_392, %dma_wait3A_393] : memref<128x128xf32, #tpu.memory_space<vmem>> -> memref<128x128xf32, #tpu.memory_space<vmem>>
        %dma_wait3A_395 = arith.constant 9984 : i32
        %dma_wait3A_396 = arith.constant 0 : i32
        %dma_wait3A_397 = tpu.memref_slice %arg5[%dma_wait3A_395, %dma_wait3A_396] : memref<10128x128xf32, #tpu.memory_space<vmem_shared>> -> memref<128x128xf32, #tpu.memory_space<vmem_shared>>
        %dma_wait3A_398 = arith.constant 9984 : i32
        %dma_wait3A_399 = arith.constant 0 : i32
        %dma_wait3A_400 = tpu.memref_slice %arg5[%dma_wait3A_398, %dma_wait3A_399] : memref<10128x128xf32, #tpu.memory_space<vmem_shared>> -> memref<128x128xf32, #tpu.memory_space<vmem_shared>>
        %dma_wait3A_401 = arith.constant 0 : i32
        %dma_wait3A_402 = arith.constant 0 : i32
        %dma_wait3A_403 = tpu.memref_slice %arg11[%dma_wait3A_401, %dma_wait3A_402] : memref<128x128xf32, #tpu.memory_space<vmem>> -> memref<128x128xf32, #tpu.memory_space<vmem>>
        tpu.wait_dma2 semaphore(%run_scoped3A : memref<!tpu.dma_semaphore, #tpu.memory_space<semaphore_mem>>) src(%dma_wait3A_403 : memref<128x128xf32, #tpu.memory_space<vmem>>) dst(%dma_wait3A_400 : memref<128x128xf32, #tpu.memory_space<vmem_shared>>)
        tpu.yield
      }) : () -> ()
      "tpu.region"() ({
        %run_scoped3A = tpu.sem_alloc : memref<!tpu.dma_semaphore, #tpu.memory_space<semaphore_mem>>
        %dma_start3A_380 = arith.constant 0 : i32
        %dma_start3A_381 = arith.constant 0 : i32
        %dma_start3A_382 = tpu.memref_slice %arg11[%dma_start3A_380, %dma_start3A_381] : memref<128x128xf32, #tpu.memory_space<vmem>> -> memref<16x128xf32, #tpu.memory_space<vmem>>
        %dma_start3A_383 = arith.constant 10112 : i32
        %dma_start3A_384 = arith.constant 0 : i32
        %dma_start3A_385 = tpu.memref_slice %arg5[%dma_start3A_383, %dma_start3A_384] : memref<10128x128xf32, #tpu.memory_space<vmem_shared>> -> memref<16x128xf32, #tpu.memory_space<vmem_shared>>
        %dma_start3A_386 = arith.constant 10112 : i32
        %dma_start3A_387 = arith.constant 0 : i32
        %dma_start3A_388 = tpu.memref_slice %arg5[%dma_start3A_386, %dma_start3A_387] : memref<10128x128xf32, #tpu.memory_space<vmem_shared>> -> memref<16x128xf32, #tpu.memory_space<vmem_shared>>
        %dma_start3A_389 = arith.constant 0 : i32
        %dma_start3A_390 = arith.constant 0 : i32
        %dma_start3A_391 = tpu.memref_slice %arg11[%dma_start3A_389, %dma_start3A_390] : memref<128x128xf32, #tpu.memory_space<vmem>> -> memref<16x128xf32, #tpu.memory_space<vmem>>
        tpu.enqueue_dma source(%dma_start3A_391 : memref<16x128xf32, #tpu.memory_space<vmem>>) target(%dma_start3A_388 : memref<16x128xf32, #tpu.memory_space<vmem_shared>>) target_semaphore(%run_scoped3A : memref<!tpu.dma_semaphore, #tpu.memory_space<semaphore_mem>>)
        %dma_wait3A_392 = arith.constant 0 : i32
        %dma_wait3A_393 = arith.constant 0 : i32
        %dma_wait3A_394 = tpu.memref_slice %arg11[%dma_wait3A_392, %dma_wait3A_393] : memref<128x128xf32, #tpu.memory_space<vmem>> -> memref<16x128xf32, #tpu.memory_space<vmem>>
        %dma_wait3A_395 = arith.constant 10112 : i32
        %dma_wait3A_396 = arith.constant 0 : i32
        %dma_wait3A_397 = tpu.memref_slice %arg5[%dma_wait3A_395, %dma_wait3A_396] : memref<10128x128xf32, #tpu.memory_space<vmem_shared>> -> memref<16x128xf32, #tpu.memory_space<vmem_shared>>
        %dma_wait3A_398 = arith.constant 10112 : i32
        %dma_wait3A_399 = arith.constant 0 : i32
        %dma_wait3A_400 = tpu.memref_slice %arg5[%dma_wait3A_398, %dma_wait3A_399] : memref<10128x128xf32, #tpu.memory_space<vmem_shared>> -> memref<16x128xf32, #tpu.memory_space<vmem_shared>>
        %dma_wait3A_401 = arith.constant 0 : i32
        %dma_wait3A_402 = arith.constant 0 : i32
        %dma_wait3A_403 = tpu.memref_slice %arg11[%dma_wait3A_401, %dma_wait3A_402] : memref<128x128xf32, #tpu.memory_space<vmem>> -> memref<16x128xf32, #tpu.memory_space<vmem>>
        tpu.wait_dma2 semaphore(%run_scoped3A : memref<!tpu.dma_semaphore, #tpu.memory_space<semaphore_mem>>) src(%dma_wait3A_403 : memref<16x128xf32, #tpu.memory_space<vmem>>) dst(%dma_wait3A_400 : memref<16x128xf32, #tpu.memory_space<vmem_shared>>)
        tpu.yield
      }) : () -> ()
    } else {
    }
    %dma_wait3A = arith.constant 0 : i32
    %dma_wait3A_54 = tpu.memref_slice %arg5[%add3A_17, %dma_wait3A] : memref<10128x128xf32, #tpu.memory_space<vmem_shared>> -> memref<128x128xf32, #tpu.memory_space<vmem_shared>>
    %dma_wait3A_55 = arith.constant 0 : i32
    %dma_wait3A_56 = tpu.memref_slice %arg5[%add3A_17, %dma_wait3A_55] : memref<10128x128xf32, #tpu.memory_space<vmem_shared>> -> memref<128x128xf32, #tpu.memory_space<vmem_shared>>
    tpu.wait_dma2 semaphore(%arg13 : memref<!tpu.dma_semaphore, #tpu.memory_space<semaphore_mem>>) src(%arg11 : memref<128x128xf32, #tpu.memory_space<vmem>>) dst(%dma_wait3A_56 : memref<128x128xf32, #tpu.memory_space<vmem_shared>>)
    %dma_wait3A_57 = arith.constant 0 : i32
    %dma_wait3A_58 = tpu.memref_slice %arg5[%add3A_23, %dma_wait3A_57] : memref<10128x128xf32, #tpu.memory_space<vmem_shared>> -> memref<128x128xf32, #tpu.memory_space<vmem_shared>>
    %dma_wait3A_59 = arith.constant 0 : i32
    %dma_wait3A_60 = tpu.memref_slice %arg5[%add3A_23, %dma_wait3A_59] : memref<10128x128xf32, #tpu.memory_space<vmem_shared>> -> memref<128x128xf32, #tpu.memory_space<vmem_shared>>
    tpu.wait_dma2 semaphore(%arg13 : memref<!tpu.dma_semaphore, #tpu.memory_space<semaphore_mem>>) src(%arg11 : memref<128x128xf32, #tpu.memory_space<vmem>>) dst(%dma_wait3A_60 : memref<128x128xf32, #tpu.memory_space<vmem_shared>>)
    %dma_wait3A_61 = arith.constant 0 : i32
    %dma_wait3A_62 = tpu.memref_slice %arg5[%add3A_29, %dma_wait3A_61] : memref<10128x128xf32, #tpu.memory_space<vmem_shared>> -> memref<128x128xf32, #tpu.memory_space<vmem_shared>>
    %dma_wait3A_63 = arith.constant 0 : i32
    %dma_wait3A_64 = tpu.memref_slice %arg5[%add3A_29, %dma_wait3A_63] : memref<10128x128xf32, #tpu.memory_space<vmem_shared>> -> memref<128x128xf32, #tpu.memory_space<vmem_shared>>
    tpu.wait_dma2 semaphore(%arg13 : memref<!tpu.dma_semaphore, #tpu.memory_space<semaphore_mem>>) src(%arg11 : memref<128x128xf32, #tpu.memory_space<vmem>>) dst(%dma_wait3A_64 : memref<128x128xf32, #tpu.memory_space<vmem_shared>>)
    %dma_wait3A_65 = arith.constant 0 : i32
    %dma_wait3A_66 = tpu.memref_slice %arg5[%add3A_35, %dma_wait3A_65] : memref<10128x128xf32, #tpu.memory_space<vmem_shared>> -> memref<128x128xf32, #tpu.memory_space<vmem_shared>>
    %dma_wait3A_67 = arith.constant 0 : i32
    %dma_wait3A_68 = tpu.memref_slice %arg5[%add3A_35, %dma_wait3A_67] : memref<10128x128xf32, #tpu.memory_space<vmem_shared>> -> memref<128x128xf32, #tpu.memory_space<vmem_shared>>
    tpu.wait_dma2 semaphore(%arg13 : memref<!tpu.dma_semaphore, #tpu.memory_space<semaphore_mem>>) src(%arg11 : memref<128x128xf32, #tpu.memory_space<vmem>>) dst(%dma_wait3A_68 : memref<128x128xf32, #tpu.memory_space<vmem_shared>>)
    %dma_wait3A_69 = arith.constant 0 : i32
    %dma_wait3A_70 = arith.constant 0 : i32
    %dma_wait3A_71 = tpu.memref_slice %arg11[%dma_wait3A_69, %dma_wait3A_70] : memref<128x128xf32, #tpu.memory_space<vmem>> -> memref<112x128xf32, #tpu.memory_space<vmem>>
    %dma_wait3A_72 = arith.constant 0 : i32
    %dma_wait3A_73 = tpu.memref_slice %arg5[%add3A_41, %dma_wait3A_72] : memref<10128x128xf32, #tpu.memory_space<vmem_shared>> -> memref<112x128xf32, #tpu.memory_space<vmem_shared>>
    %dma_wait3A_74 = arith.constant 0 : i32
    %dma_wait3A_75 = tpu.memref_slice %arg5[%add3A_41, %dma_wait3A_74] : memref<10128x128xf32, #tpu.memory_space<vmem_shared>> -> memref<112x128xf32, #tpu.memory_space<vmem_shared>>
    %dma_wait3A_76 = arith.constant 0 : i32
    %dma_wait3A_77 = arith.constant 0 : i32
    %dma_wait3A_78 = tpu.memref_slice %arg11[%dma_wait3A_76, %dma_wait3A_77] : memref<128x128xf32, #tpu.memory_space<vmem>> -> memref<112x128xf32, #tpu.memory_space<vmem>>
    tpu.wait_dma2 semaphore(%arg13 : memref<!tpu.dma_semaphore, #tpu.memory_space<semaphore_mem>>) src(%dma_wait3A_78 : memref<112x128xf32, #tpu.memory_space<vmem>>) dst(%dma_wait3A_75 : memref<112x128xf32, #tpu.memory_space<vmem_shared>>)
    %dma_wait3A_79 = arith.constant 0 : i32
    %dma_wait3A_80 = arith.constant 0 : i32
    %dma_wait3A_81 = tpu.memref_slice %arg3[%add3A, %dma_wait3A_79, %dma_wait3A_80] : memref<32x80x128xi32, #tpu.memory_space<hbm>> -> memref<1x80x128xi32, #tpu.memory_space<hbm>>
    %dma_wait3A_82 = tpu.memref_squeeze %dma_wait3A_81 : memref<1x80x128xi32, #tpu.memory_space<hbm>> -> memref<80x128xi32, #tpu.memory_space<hbm>>
    %dma_wait3A_83 = arith.constant 0 : i32
    %dma_wait3A_84 = arith.constant 0 : i32
    %dma_wait3A_85 = tpu.memref_slice %arg3[%add3A, %dma_wait3A_83, %dma_wait3A_84] : memref<32x80x128xi32, #tpu.memory_space<hbm>> -> memref<1x80x128xi32, #tpu.memory_space<hbm>>
    %dma_wait3A_86 = tpu.memref_squeeze %dma_wait3A_85 : memref<1x80x128xi32, #tpu.memory_space<hbm>> -> memref<80x128xi32, #tpu.memory_space<hbm>>
    tpu.wait_dma2 semaphore(%arg14 : memref<!tpu.dma_semaphore, #tpu.memory_space<semaphore_mem>>) src(%dma_wait3A_86 : memref<80x128xi32, #tpu.memory_space<hbm>>) dst(%arg6 : memref<80x128xi32, #tpu.memory_space<vmem>>)
    %barrier3A = arith.constant 0 : index
    tpu.barrier barrier_id(%barrier3A)
    %get3A = arith.constant 0 : i32
    %get3A_87 = arith.index_cast %get3A : i32 to index
    %get3A_88 = arith.constant 0 : index
    %get3A_89 = tpu.vector_load %arg6[%get3A_87, %get3A_88] {strides = array<i32>} : memref<80x128xi32, #tpu.memory_space<vmem>>, vector<1x16xi32>,
    %get3A_90 = vector.shape_cast %get3A_89 : vector<1x16xi32> to vector<16xi32>
    %and3A = arith.constant 65535 : i32
    %and3A_91 = vector.broadcast %and3A : i32 to vector<16xi32>
    %and3A_92 = arith.andi %get3A_90, %and3A_91 : vector<16xi32>
    %swap3A = arith.constant 0 : index
    %swap3A_93 = tpu.vector_load %arg7[%swap3A] {strides = array<i32>} : memref<128xi32, #tpu.memory_space<vmem>>, vector<16xi32>,
    %swap3A_94 = vector.shape_cast %swap3A_93 : vector<16xi32> to vector<16xi32>
    %swap3A_95 = vector.shape_cast %and3A_92 : vector<16xi32> to vector<16xi32>
    tpu.vector_store %arg7[%swap3A], %swap3A_95 {strides = array<i32>} : memref<128xi32, #tpu.memory_space<vmem>>, vector<16xi32>,
    %shift_right_logical3A = arith.constant 16 : i32
    %shift_right_logical3A_96 = vector.broadcast %shift_right_logical3A : i32 to vector<16xi32>
    %shift_right_logical3A_97 = arith.shrui %get3A_90, %shift_right_logical3A_96 : vector<16xi32>
    %swap3A_98 = arith.constant 0 : index
    %swap3A_99 = tpu.vector_load %arg9[%swap3A_98] {strides = array<i32>} : memref<128xi32, #tpu.memory_space<vmem>>, vector<16xi32>,
    %swap3A_100 = vector.shape_cast %swap3A_99 : vector<16xi32> to vector<16xi32>
    %swap3A_101 = vector.shape_cast %shift_right_logical3A_97 : vector<16xi32> to vector<16xi32>
    tpu.vector_store %arg9[%swap3A_98], %swap3A_101 {strides = array<i32>} : memref<128xi32, #tpu.memory_space<vmem>>, vector<16xi32>,
    %get3A_102 = arith.constant 0 : i32
    %get3A_103 = arith.index_cast %get3A_102 : i32 to index
    %get3A_104 = arith.constant 16 : index
    %get3A_105 = tpu.vector_load %arg6[%get3A_103, %get3A_104] {strides = array<i32>} : memref<80x128xi32, #tpu.memory_space<vmem>>, vector<1x16xi32>,
    %get3A_106 = vector.shape_cast %get3A_105 : vector<1x16xi32> to vector<16xi32>
    %and3A_107 = arith.constant 65535 : i32
    %and3A_108 = vector.broadcast %and3A_107 : i32 to vector<16xi32>
    %and3A_109 = arith.andi %get3A_106, %and3A_108 : vector<16xi32>
    %swap3A_110 = arith.constant 16 : index
    %swap3A_111 = tpu.vector_load %arg7[%swap3A_110] {strides = array<i32>} : memref<128xi32, #tpu.memory_space<vmem>>, vector<16xi32>,
    %swap3A_112 = vector.shape_cast %swap3A_111 : vector<16xi32> to vector<16xi32>
    %swap3A_113 = vector.shape_cast %and3A_109 : vector<16xi32> to vector<16xi32>
    tpu.vector_store %arg7[%swap3A_110], %swap3A_113 {strides = array<i32>} : memref<128xi32, #tpu.memory_space<vmem>>, vector<16xi32>,
    %shift_right_logical3A_114 = arith.constant 16 : i32
    %shift_right_logical3A_115 = vector.broadcast %shift_right_logical3A_114 : i32 to vector<16xi32>
    %shift_right_logical3A_116 = arith.shrui %get3A_106, %shift_right_logical3A_115 : vector<16xi32>
    %swap3A_117 = arith.constant 16 : index
    %swap3A_118 = tpu.vector_load %arg9[%swap3A_117] {strides = array<i32>} : memref<128xi32, #tpu.memory_space<vmem>>, vector<16xi32>,
    %swap3A_119 = vector.shape_cast %swap3A_118 : vector<16xi32> to vector<16xi32>
    %swap3A_120 = vector.shape_cast %shift_right_logical3A_116 : vector<16xi32> to vector<16xi32>
    tpu.vector_store %arg9[%swap3A_117], %swap3A_120 {strides = array<i32>} : memref<128xi32, #tpu.memory_space<vmem>>, vector<16xi32>,
    %get3A_121 = arith.constant 0 : i32
    %get3A_122 = arith.index_cast %get3A_121 : i32 to index
    %get3A_123 = arith.constant 32 : index
    %get3A_124 = tpu.vector_load %arg6[%get3A_122, %get3A_123] {strides = array<i32>} : memref<80x128xi32, #tpu.memory_space<vmem>>, vector<1x16xi32>,
    %get3A_125 = vector.shape_cast %get3A_124 : vector<1x16xi32> to vector<16xi32>
    %and3A_126 = arith.constant 65535 : i32
    %and3A_127 = vector.broadcast %and3A_126 : i32 to vector<16xi32>
    %and3A_128 = arith.andi %get3A_125, %and3A_127 : vector<16xi32>
    %swap3A_129 = arith.constant 32 : index
    %swap3A_130 = tpu.vector_load %arg7[%swap3A_129] {strides = array<i32>} : memref<128xi32, #tpu.memory_space<vmem>>, vector<16xi32>,
    %swap3A_131 = vector.shape_cast %swap3A_130 : vector<16xi32> to vector<16xi32>
    %swap3A_132 = vector.shape_cast %and3A_128 : vector<16xi32> to vector<16xi32>
    tpu.vector_store %arg7[%swap3A_129], %swap3A_132 {strides = array<i32>} : memref<128xi32, #tpu.memory_space<vmem>>, vector<16xi32>,
    %shift_right_logical3A_133 = arith.constant 16 : i32
    %shift_right_logical3A_134 = vector.broadcast %shift_right_logical3A_133 : i32 to vector<16xi32>
    %shift_right_logical3A_135 = arith.shrui %get3A_125, %shift_right_logical3A_134 : vector<16xi32>
    %swap3A_136 = arith.constant 32 : index
    %swap3A_137 = tpu.vector_load %arg9[%swap3A_136] {strides = array<i32>} : memref<128xi32, #tpu.memory_space<vmem>>, vector<16xi32>,
    %swap3A_138 = vector.shape_cast %swap3A_137 : vector<16xi32> to vector<16xi32>
    %swap3A_139 = vector.shape_cast %shift_right_logical3A_135 : vector<16xi32> to vector<16xi32>
    tpu.vector_store %arg9[%swap3A_136], %swap3A_139 {strides = array<i32>} : memref<128xi32, #tpu.memory_space<vmem>>, vector<16xi32>,
    %get3A_140 = arith.constant 0 : i32
    %get3A_141 = arith.index_cast %get3A_140 : i32 to index
    %get3A_142 = arith.constant 48 : index
    %get3A_143 = tpu.vector_load %arg6[%get3A_141, %get3A_142] {strides = array<i32>} : memref<80x128xi32, #tpu.memory_space<vmem>>, vector<1x16xi32>,
    %get3A_144 = vector.shape_cast %get3A_143 : vector<1x16xi32> to vector<16xi32>
    %and3A_145 = arith.constant 65535 : i32
    %and3A_146 = vector.broadcast %and3A_145 : i32 to vector<16xi32>
    %and3A_147 = arith.andi %get3A_144, %and3A_146 : vector<16xi32>
    %swap3A_148 = arith.constant 48 : index
    %swap3A_149 = tpu.vector_load %arg7[%swap3A_148] {strides = array<i32>} : memref<128xi32, #tpu.memory_space<vmem>>, vector<16xi32>,
    %swap3A_150 = vector.shape_cast %swap3A_149 : vector<16xi32> to vector<16xi32>
    %swap3A_151 = vector.shape_cast %and3A_147 : vector<16xi32> to vector<16xi32>
    tpu.vector_store %arg7[%swap3A_148], %swap3A_151 {strides = array<i32>} : memref<128xi32, #tpu.memory_space<vmem>>, vector<16xi32>,
    %shift_right_logical3A_152 = arith.constant 16 : i32
    %shift_right_logical3A_153 = vector.broadcast %shift_right_logical3A_152 : i32 to vector<16xi32>
    %shift_right_logical3A_154 = arith.shrui %get3A_144, %shift_right_logical3A_153 : vector<16xi32>
    %swap3A_155 = arith.constant 48 : index
    %swap3A_156 = tpu.vector_load %arg9[%swap3A_155] {strides = array<i32>} : memref<128xi32, #tpu.memory_space<vmem>>, vector<16xi32>,
    %swap3A_157 = vector.shape_cast %swap3A_156 : vector<16xi32> to vector<16xi32>
    %swap3A_158 = vector.shape_cast %shift_right_logical3A_154 : vector<16xi32> to vector<16xi32>
    tpu.vector_store %arg9[%swap3A_155], %swap3A_158 {strides = array<i32>} : memref<128xi32, #tpu.memory_space<vmem>>, vector<16xi32>,
    %get3A_159 = arith.constant 0 : i32
    %get3A_160 = arith.index_cast %get3A_159 : i32 to index
    %get3A_161 = arith.constant 64 : index
    %get3A_162 = tpu.vector_load %arg6[%get3A_160, %get3A_161] {strides = array<i32>} : memref<80x128xi32, #tpu.memory_space<vmem>>, vector<1x16xi32>,
    %get3A_163 = vector.shape_cast %get3A_162 : vector<1x16xi32> to vector<16xi32>
    %and3A_164 = arith.constant 65535 : i32
    %and3A_165 = vector.broadcast %and3A_164 : i32 to vector<16xi32>
    %and3A_166 = arith.andi %get3A_163, %and3A_165 : vector<16xi32>
    %swap3A_167 = arith.constant 64 : index
    %swap3A_168 = tpu.vector_load %arg7[%swap3A_167] {strides = array<i32>} : memref<128xi32, #tpu.memory_space<vmem>>, vector<16xi32>,
    %swap3A_169 = vector.shape_cast %swap3A_168 : vector<16xi32> to vector<16xi32>
    %swap3A_170 = vector.shape_cast %and3A_166 : vector<16xi32> to vector<16xi32>
    tpu.vector_store %arg7[%swap3A_167], %swap3A_170 {strides = array<i32>} : memref<128xi32, #tpu.memory_space<vmem>>, vector<16xi32>,
    %shift_right_logical3A_171 = arith.constant 16 : i32
    %shift_right_logical3A_172 = vector.broadcast %shift_right_logical3A_171 : i32 to vector<16xi32>
    %shift_right_logical3A_173 = arith.shrui %get3A_163, %shift_right_logical3A_172 : vector<16xi32>
    %swap3A_174 = arith.constant 64 : index
    %swap3A_175 = tpu.vector_load %arg9[%swap3A_174] {strides = array<i32>} : memref<128xi32, #tpu.memory_space<vmem>>, vector<16xi32>,
    %swap3A_176 = vector.shape_cast %swap3A_175 : vector<16xi32> to vector<16xi32>
    %swap3A_177 = vector.shape_cast %shift_right_logical3A_173 : vector<16xi32> to vector<16xi32>
    tpu.vector_store %arg9[%swap3A_174], %swap3A_177 {strides = array<i32>} : memref<128xi32, #tpu.memory_space<vmem>>, vector<16xi32>,
    %get3A_178 = arith.constant 0 : i32
    %get3A_179 = arith.index_cast %get3A_178 : i32 to index
    %get3A_180 = arith.constant 80 : index
    %get3A_181 = tpu.vector_load %arg6[%get3A_179, %get3A_180] {strides = array<i32>} : memref<80x128xi32, #tpu.memory_space<vmem>>, vector<1x16xi32>,
    %get3A_182 = vector.shape_cast %get3A_181 : vector<1x16xi32> to vector<16xi32>
    %and3A_183 = arith.constant 65535 : i32
    %and3A_184 = vector.broadcast %and3A_183 : i32 to vector<16xi32>
    %and3A_185 = arith.andi %get3A_182, %and3A_184 : vector<16xi32>
    %swap3A_186 = arith.constant 80 : index
    %swap3A_187 = tpu.vector_load %arg7[%swap3A_186] {strides = array<i32>} : memref<128xi32, #tpu.memory_space<vmem>>, vector<16xi32>,
    %swap3A_188 = vector.shape_cast %swap3A_187 : vector<16xi32> to vector<16xi32>
    %swap3A_189 = vector.shape_cast %and3A_185 : vector<16xi32> to vector<16xi32>
    tpu.vector_store %arg7[%swap3A_186], %swap3A_189 {strides = array<i32>} : memref<128xi32, #tpu.memory_space<vmem>>, vector<16xi32>,
    %shift_right_logical3A_190 = arith.constant 16 : i32
    %shift_right_logical3A_191 = vector.broadcast %shift_right_logical3A_190 : i32 to vector<16xi32>
    %shift_right_logical3A_192 = arith.shrui %get3A_182, %shift_right_logical3A_191 : vector<16xi32>
    %swap3A_193 = arith.constant 80 : index
    %swap3A_194 = tpu.vector_load %arg9[%swap3A_193] {strides = array<i32>} : memref<128xi32, #tpu.memory_space<vmem>>, vector<16xi32>,
    %swap3A_195 = vector.shape_cast %swap3A_194 : vector<16xi32> to vector<16xi32>
    %swap3A_196 = vector.shape_cast %shift_right_logical3A_192 : vector<16xi32> to vector<16xi32>
    tpu.vector_store %arg9[%swap3A_193], %swap3A_196 {strides = array<i32>} : memref<128xi32, #tpu.memory_space<vmem>>, vector<16xi32>,
    %get3A_197 = arith.constant 0 : i32
    %get3A_198 = arith.index_cast %get3A_197 : i32 to index
    %get3A_199 = arith.constant 96 : index
    %get3A_200 = tpu.vector_load %arg6[%get3A_198, %get3A_199] {strides = array<i32>} : memref<80x128xi32, #tpu.memory_space<vmem>>, vector<1x16xi32>,
    %get3A_201 = vector.shape_cast %get3A_200 : vector<1x16xi32> to vector<16xi32>
    %and3A_202 = arith.constant 65535 : i32
    %and3A_203 = vector.broadcast %and3A_202 : i32 to vector<16xi32>
    %and3A_204 = arith.andi %get3A_201, %and3A_203 : vector<16xi32>
    %swap3A_205 = arith.constant 96 : index
    %swap3A_206 = tpu.vector_load %arg7[%swap3A_205] {strides = array<i32>} : memref<128xi32, #tpu.memory_space<vmem>>, vector<16xi32>,
    %swap3A_207 = vector.shape_cast %swap3A_206 : vector<16xi32> to vector<16xi32>
    %swap3A_208 = vector.shape_cast %and3A_204 : vector<16xi32> to vector<16xi32>
    tpu.vector_store %arg7[%swap3A_205], %swap3A_208 {strides = array<i32>} : memref<128xi32, #tpu.memory_space<vmem>>, vector<16xi32>,
    %shift_right_logical3A_209 = arith.constant 16 : i32
    %shift_right_logical3A_210 = vector.broadcast %shift_right_logical3A_209 : i32 to vector<16xi32>
    %shift_right_logical3A_211 = arith.shrui %get3A_201, %shift_right_logical3A_210 : vector<16xi32>
    %swap3A_212 = arith.constant 96 : index
    %swap3A_213 = tpu.vector_load %arg9[%swap3A_212] {strides = array<i32>} : memref<128xi32, #tpu.memory_space<vmem>>, vector<16xi32>,
    %swap3A_214 = vector.shape_cast %swap3A_213 : vector<16xi32> to vector<16xi32>
    %swap3A_215 = vector.shape_cast %shift_right_logical3A_211 : vector<16xi32> to vector<16xi32>
    tpu.vector_store %arg9[%swap3A_212], %swap3A_215 {strides = array<i32>} : memref<128xi32, #tpu.memory_space<vmem>>, vector<16xi32>,
    %get3A_216 = arith.constant 0 : i32
    %get3A_217 = arith.index_cast %get3A_216 : i32 to index
    %get3A_218 = arith.constant 112 : index
    %get3A_219 = tpu.vector_load %arg6[%get3A_217, %get3A_218] {strides = array<i32>} : memref<80x128xi32, #tpu.memory_space<vmem>>, vector<1x16xi32>,
    %get3A_220 = vector.shape_cast %get3A_219 : vector<1x16xi32> to vector<16xi32>
    %and3A_221 = arith.constant 65535 : i32
    %and3A_222 = vector.broadcast %and3A_221 : i32 to vector<16xi32>
    %and3A_223 = arith.andi %get3A_220, %and3A_222 : vector<16xi32>
    %swap3A_224 = arith.constant 112 : index
    %swap3A_225 = tpu.vector_load %arg7[%swap3A_224] {strides = array<i32>} : memref<128xi32, #tpu.memory_space<vmem>>, vector<16xi32>,
    %swap3A_226 = vector.shape_cast %swap3A_225 : vector<16xi32> to vector<16xi32>
    %swap3A_227 = vector.shape_cast %and3A_223 : vector<16xi32> to vector<16xi32>
    tpu.vector_store %arg7[%swap3A_224], %swap3A_227 {strides = array<i32>} : memref<128xi32, #tpu.memory_space<vmem>>, vector<16xi32>,
    %shift_right_logical3A_228 = arith.constant 16 : i32
    %shift_right_logical3A_229 = vector.broadcast %shift_right_logical3A_228 : i32 to vector<16xi32>
    %shift_right_logical3A_230 = arith.shrui %get3A_220, %shift_right_logical3A_229 : vector<16xi32>
    %swap3A_231 = arith.constant 112 : index
    %swap3A_232 = tpu.vector_load %arg9[%swap3A_231] {strides = array<i32>} : memref<128xi32, #tpu.memory_space<vmem>>, vector<16xi32>,
    %swap3A_233 = vector.shape_cast %swap3A_232 : vector<16xi32> to vector<16xi32>
    %swap3A_234 = vector.shape_cast %shift_right_logical3A_230 : vector<16xi32> to vector<16xi32>
    tpu.vector_store %arg9[%swap3A_231], %swap3A_234 {strides = array<i32>} : memref<128xi32, #tpu.memory_space<vmem>>, vector<16xi32>,
    %dma_start3A_235 = arith.constant 0 : i32
    %dma_start3A_236 = arith.constant 0 : i32
    %dma_start3A_237 = tpu.memref_slice %arg2[%dma_start3A_235, %dma_start3A_236] : memref<10000x128xf32, #tpu.memory_space<hbm>> -> memref<10000x128xf32, #tpu.memory_space<hbm>>
    tpu.enqueue_indirect_dma source(%dma_start3A_237 : memref<10000x128xf32, #tpu.memory_space<hbm>>) target(%arg11 : memref<128x128xf32, #tpu.memory_space<vmem>>) offsets(%arg7 : memref<128xi32, #tpu.memory_space<vmem>>) semaphore(%arg13 : memref<!tpu.dma_semaphore, #tpu.memory_space<semaphore_mem>>)
    %scan3A_238 = arith.constant 0 : i32
    %scan3A_239 = arith.constant 0 : i32
    %scan3A_240 = arith.constant 40 : i32
    %scan3A_241 = arith.addi %scan3A_239, %scan3A_240 : i32
    %scan3A_242 = arith.constant 1 : i32
    scf.for %scan3A_380 = %scan3A_239 to %scan3A_241 step %scan3A_242  : i32 {
      %mul3A_381 = arith.constant 2 : i32
      %mul3A_382 = arith.muli %mul3A_381, %scan3A_380 : i32
      %add3A_383 = arith.constant 0 : i32
      %add3A_384 = arith.addi %mul3A_382, %add3A_383 : i32
      %add3A_385 = arith.constant 1 : i32
      %add3A_386 = arith.addi %add3A_384, %add3A_385 : i32
      %get3A_387 = arith.index_cast %add3A_386 : i32 to index
      %get3A_388 = arith.constant 0 : index
      %get3A_389 = tpu.vector_load %arg6[%get3A_387, %get3A_388] {strides = array<i32>} : memref<80x128xi32, #tpu.memory_space<vmem>>, vector<1x16xi32>,
      %get3A_390 = vector.shape_cast %get3A_389 : vector<1x16xi32> to vector<16xi32>
      %and3A_391 = arith.constant 65535 : i32
      %and3A_392 = vector.broadcast %and3A_391 : i32 to vector<16xi32>
      %and3A_393 = arith.andi %get3A_390, %and3A_392 : vector<16xi32>
      %swap3A_394 = arith.constant 0 : index
      %swap3A_395 = tpu.vector_load %arg8[%swap3A_394] {strides = array<i32>} : memref<128xi32, #tpu.memory_space<vmem>>, vector<16xi32>,
      %swap3A_396 = vector.shape_cast %swap3A_395 : vector<16xi32> to vector<16xi32>
      %swap3A_397 = vector.shape_cast %and3A_393 : vector<16xi32> to vector<16xi32>
      tpu.vector_store %arg8[%swap3A_394], %swap3A_397 {strides = array<i32>} : memref<128xi32, #tpu.memory_space<vmem>>, vector<16xi32>,
      %shift_right_logical3A_398 = arith.constant 16 : i32
      %shift_right_logical3A_399 = vector.broadcast %shift_right_logical3A_398 : i32 to vector<16xi32>
      %shift_right_logical3A_400 = arith.shrui %get3A_390, %shift_right_logical3A_399 : vector<16xi32>
      %swap3A_401 = arith.constant 0 : index
      %swap3A_402 = tpu.vector_load %arg10[%swap3A_401] {strides = array<i32>} : memref<128xi32, #tpu.memory_space<vmem>>, vector<16xi32>,
      %swap3A_403 = vector.shape_cast %swap3A_402 : vector<16xi32> to vector<16xi32>
      %swap3A_404 = vector.shape_cast %shift_right_logical3A_400 : vector<16xi32> to vector<16xi32>
      tpu.vector_store %arg10[%swap3A_401], %swap3A_404 {strides = array<i32>} : memref<128xi32, #tpu.memory_space<vmem>>, vector<16xi32>,
      %get3A_405 = arith.index_cast %add3A_386 : i32 to index
      %get3A_406 = arith.constant 16 : index
      %get3A_407 = tpu.vector_load %arg6[%get3A_405, %get3A_406] {strides = array<i32>} : memref<80x128xi32, #tpu.memory_space<vmem>>, vector<1x16xi32>,
      %get3A_408 = vector.shape_cast %get3A_407 : vector<1x16xi32> to vector<16xi32>
      %and3A_409 = arith.constant 65535 : i32
      %and3A_410 = vector.broadcast %and3A_409 : i32 to vector<16xi32>
      %and3A_411 = arith.andi %get3A_408, %and3A_410 : vector<16xi32>
      %swap3A_412 = arith.constant 16 : index
      %swap3A_413 = tpu.vector_load %arg8[%swap3A_412] {strides = array<i32>} : memref<128xi32, #tpu.memory_space<vmem>>, vector<16xi32>,
      %swap3A_414 = vector.shape_cast %swap3A_413 : vector<16xi32> to vector<16xi32>
      %swap3A_415 = vector.shape_cast %and3A_411 : vector<16xi32> to vector<16xi32>
      tpu.vector_store %arg8[%swap3A_412], %swap3A_415 {strides = array<i32>} : memref<128xi32, #tpu.memory_space<vmem>>, vector<16xi32>,
      %shift_right_logical3A_416 = arith.constant 16 : i32
      %shift_right_logical3A_417 = vector.broadcast %shift_right_logical3A_416 : i32 to vector<16xi32>
      %shift_right_logical3A_418 = arith.shrui %get3A_408, %shift_right_logical3A_417 : vector<16xi32>
      %swap3A_419 = arith.constant 16 : index
      %swap3A_420 = tpu.vector_load %arg10[%swap3A_419] {strides = array<i32>} : memref<128xi32, #tpu.memory_space<vmem>>, vector<16xi32>,
      %swap3A_421 = vector.shape_cast %swap3A_420 : vector<16xi32> to vector<16xi32>
      %swap3A_422 = vector.shape_cast %shift_right_logical3A_418 : vector<16xi32> to vector<16xi32>
      tpu.vector_store %arg10[%swap3A_419], %swap3A_422 {strides = array<i32>} : memref<128xi32, #tpu.memory_space<vmem>>, vector<16xi32>,
      %get3A_423 = arith.index_cast %add3A_386 : i32 to index
      %get3A_424 = arith.constant 32 : index
      %get3A_425 = tpu.vector_load %arg6[%get3A_423, %get3A_424] {strides = array<i32>} : memref<80x128xi32, #tpu.memory_space<vmem>>, vector<1x16xi32>,
      %get3A_426 = vector.shape_cast %get3A_425 : vector<1x16xi32> to vector<16xi32>
      %and3A_427 = arith.constant 65535 : i32
      %and3A_428 = vector.broadcast %and3A_427 : i32 to vector<16xi32>
      %and3A_429 = arith.andi %get3A_426, %and3A_428 : vector<16xi32>
      %swap3A_430 = arith.constant 32 : index
      %swap3A_431 = tpu.vector_load %arg8[%swap3A_430] {strides = array<i32>} : memref<128xi32, #tpu.memory_space<vmem>>, vector<16xi32>,
      %swap3A_432 = vector.shape_cast %swap3A_431 : vector<16xi32> to vector<16xi32>
      %swap3A_433 = vector.shape_cast %and3A_429 : vector<16xi32> to vector<16xi32>
      tpu.vector_store %arg8[%swap3A_430], %swap3A_433 {strides = array<i32>} : memref<128xi32, #tpu.memory_space<vmem>>, vector<16xi32>,
      %shift_right_logical3A_434 = arith.constant 16 : i32
      %shift_right_logical3A_435 = vector.broadcast %shift_right_logical3A_434 : i32 to vector<16xi32>
      %shift_right_logical3A_436 = arith.shrui %get3A_426, %shift_right_logical3A_435 : vector<16xi32>
      %swap3A_437 = arith.constant 32 : index
      %swap3A_438 = tpu.vector_load %arg10[%swap3A_437] {strides = array<i32>} : memref<128xi32, #tpu.memory_space<vmem>>, vector<16xi32>,
      %swap3A_439 = vector.shape_cast %swap3A_438 : vector<16xi32> to vector<16xi32>
      %swap3A_440 = vector.shape_cast %shift_right_logical3A_436 : vector<16xi32> to vector<16xi32>
      tpu.vector_store %arg10[%swap3A_437], %swap3A_440 {strides = array<i32>} : memref<128xi32, #tpu.memory_space<vmem>>, vector<16xi32>,
      %get3A_441 = arith.index_cast %add3A_386 : i32 to index
      %get3A_442 = arith.constant 48 : index
      %get3A_443 = tpu.vector_load %arg6[%get3A_441, %get3A_442] {strides = array<i32>} : memref<80x128xi32, #tpu.memory_space<vmem>>, vector<1x16xi32>,
      %get3A_444 = vector.shape_cast %get3A_443 : vector<1x16xi32> to vector<16xi32>
      %and3A_445 = arith.constant 65535 : i32
      %and3A_446 = vector.broadcast %and3A_445 : i32 to vector<16xi32>
      %and3A_447 = arith.andi %get3A_444, %and3A_446 : vector<16xi32>
      %swap3A_448 = arith.constant 48 : index
      %swap3A_449 = tpu.vector_load %arg8[%swap3A_448] {strides = array<i32>} : memref<128xi32, #tpu.memory_space<vmem>>, vector<16xi32>,
      %swap3A_450 = vector.shape_cast %swap3A_449 : vector<16xi32> to vector<16xi32>
      %swap3A_451 = vector.shape_cast %and3A_447 : vector<16xi32> to vector<16xi32>
      tpu.vector_store %arg8[%swap3A_448], %swap3A_451 {strides = array<i32>} : memref<128xi32, #tpu.memory_space<vmem>>, vector<16xi32>,
      %shift_right_logical3A_452 = arith.constant 16 : i32
      %shift_right_logical3A_453 = vector.broadcast %shift_right_logical3A_452 : i32 to vector<16xi32>
      %shift_right_logical3A_454 = arith.shrui %get3A_444, %shift_right_logical3A_453 : vector<16xi32>
      %swap3A_455 = arith.constant 48 : index
      %swap3A_456 = tpu.vector_load %arg10[%swap3A_455] {strides = array<i32>} : memref<128xi32, #tpu.memory_space<vmem>>, vector<16xi32>,
      %swap3A_457 = vector.shape_cast %swap3A_456 : vector<16xi32> to vector<16xi32>
      %swap3A_458 = vector.shape_cast %shift_right_logical3A_454 : vector<16xi32> to vector<16xi32>
      tpu.vector_store %arg10[%swap3A_455], %swap3A_458 {strides = array<i32>} : memref<128xi32, #tpu.memory_space<vmem>>, vector<16xi32>,
      %get3A_459 = arith.index_cast %add3A_386 : i32 to index
      %get3A_460 = arith.constant 64 : index
      %get3A_461 = tpu.vector_load %arg6[%get3A_459, %get3A_460] {strides = array<i32>} : memref<80x128xi32, #tpu.memory_space<vmem>>, vector<1x16xi32>,
      %get3A_462 = vector.shape_cast %get3A_461 : vector<1x16xi32> to vector<16xi32>
      %and3A_463 = arith.constant 65535 : i32
      %and3A_464 = vector.broadcast %and3A_463 : i32 to vector<16xi32>
      %and3A_465 = arith.andi %get3A_462, %and3A_464 : vector<16xi32>
      %swap3A_466 = arith.constant 64 : index
      %swap3A_467 = tpu.vector_load %arg8[%swap3A_466] {strides = array<i32>} : memref<128xi32, #tpu.memory_space<vmem>>, vector<16xi32>,
      %swap3A_468 = vector.shape_cast %swap3A_467 : vector<16xi32> to vector<16xi32>
      %swap3A_469 = vector.shape_cast %and3A_465 : vector<16xi32> to vector<16xi32>
      tpu.vector_store %arg8[%swap3A_466], %swap3A_469 {strides = array<i32>} : memref<128xi32, #tpu.memory_space<vmem>>, vector<16xi32>,
      %shift_right_logical3A_470 = arith.constant 16 : i32
      %shift_right_logical3A_471 = vector.broadcast %shift_right_logical3A_470 : i32 to vector<16xi32>
      %shift_right_logical3A_472 = arith.shrui %get3A_462, %shift_right_logical3A_471 : vector<16xi32>
      %swap3A_473 = arith.constant 64 : index
      %swap3A_474 = tpu.vector_load %arg10[%swap3A_473] {strides = array<i32>} : memref<128xi32, #tpu.memory_space<vmem>>, vector<16xi32>,
      %swap3A_475 = vector.shape_cast %swap3A_474 : vector<16xi32> to vector<16xi32>
      %swap3A_476 = vector.shape_cast %shift_right_logical3A_472 : vector<16xi32> to vector<16xi32>
      tpu.vector_store %arg10[%swap3A_473], %swap3A_476 {strides = array<i32>} : memref<128xi32, #tpu.memory_space<vmem>>, vector<16xi32>,
      %get3A_477 = arith.index_cast %add3A_386 : i32 to index
      %get3A_478 = arith.constant 80 : index
      %get3A_479 = tpu.vector_load %arg6[%get3A_477, %get3A_478] {strides = array<i32>} : memref<80x128xi32, #tpu.memory_space<vmem>>, vector<1x16xi32>,
      %get3A_480 = vector.shape_cast %get3A_479 : vector<1x16xi32> to vector<16xi32>
      %and3A_481 = arith.constant 65535 : i32
      %and3A_482 = vector.broadcast %and3A_481 : i32 to vector<16xi32>
      %and3A_483 = arith.andi %get3A_480, %and3A_482 : vector<16xi32>
      %swap3A_484 = arith.constant 80 : index
      %swap3A_485 = tpu.vector_load %arg8[%swap3A_484] {strides = array<i32>} : memref<128xi32, #tpu.memory_space<vmem>>, vector<16xi32>,
      %swap3A_486 = vector.shape_cast %swap3A_485 : vector<16xi32> to vector<16xi32>
      %swap3A_487 = vector.shape_cast %and3A_483 : vector<16xi32> to vector<16xi32>
      tpu.vector_store %arg8[%swap3A_484], %swap3A_487 {strides = array<i32>} : memref<128xi32, #tpu.memory_space<vmem>>, vector<16xi32>,
      %shift_right_logical3A_488 = arith.constant 16 : i32
      %shift_right_logical3A_489 = vector.broadcast %shift_right_logical3A_488 : i32 to vector<16xi32>
      %shift_right_logical3A_490 = arith.shrui %get3A_480, %shift_right_logical3A_489 : vector<16xi32>
      %swap3A_491 = arith.constant 80 : index
      %swap3A_492 = tpu.vector_load %arg10[%swap3A_491] {strides = array<i32>} : memref<128xi32, #tpu.memory_space<vmem>>, vector<16xi32>,
      %swap3A_493 = vector.shape_cast %swap3A_492 : vector<16xi32> to vector<16xi32>
      %swap3A_494 = vector.shape_cast %shift_right_logical3A_490 : vector<16xi32> to vector<16xi32>
      tpu.vector_store %arg10[%swap3A_491], %swap3A_494 {strides = array<i32>} : memref<128xi32, #tpu.memory_space<vmem>>, vector<16xi32>,
      %get3A_495 = arith.index_cast %add3A_386 : i32 to index
      %get3A_496 = arith.constant 96 : index
      %get3A_497 = tpu.vector_load %arg6[%get3A_495, %get3A_496] {strides = array<i32>} : memref<80x128xi32, #tpu.memory_space<vmem>>, vector<1x16xi32>,
      %get3A_498 = vector.shape_cast %get3A_497 : vector<1x16xi32> to vector<16xi32>
      %and3A_499 = arith.constant 65535 : i32
      %and3A_500 = vector.broadcast %and3A_499 : i32 to vector<16xi32>
      %and3A_501 = arith.andi %get3A_498, %and3A_500 : vector<16xi32>
      %swap3A_502 = arith.constant 96 : index
      %swap3A_503 = tpu.vector_load %arg8[%swap3A_502] {strides = array<i32>} : memref<128xi32, #tpu.memory_space<vmem>>, vector<16xi32>,
      %swap3A_504 = vector.shape_cast %swap3A_503 : vector<16xi32> to vector<16xi32>
      %swap3A_505 = vector.shape_cast %and3A_501 : vector<16xi32> to vector<16xi32>
      tpu.vector_store %arg8[%swap3A_502], %swap3A_505 {strides = array<i32>} : memref<128xi32, #tpu.memory_space<vmem>>, vector<16xi32>,
      %shift_right_logical3A_506 = arith.constant 16 : i32
      %shift_right_logical3A_507 = vector.broadcast %shift_right_logical3A_506 : i32 to vector<16xi32>
      %shift_right_logical3A_508 = arith.shrui %get3A_498, %shift_right_logical3A_507 : vector<16xi32>
      %swap3A_509 = arith.constant 96 : index
      %swap3A_510 = tpu.vector_load %arg10[%swap3A_509] {strides = array<i32>} : memref<128xi32, #tpu.memory_space<vmem>>, vector<16xi32>,
      %swap3A_511 = vector.shape_cast %swap3A_510 : vector<16xi32> to vector<16xi32>
      %swap3A_512 = vector.shape_cast %shift_right_logical3A_508 : vector<16xi32> to vector<16xi32>
      tpu.vector_store %arg10[%swap3A_509], %swap3A_512 {strides = array<i32>} : memref<128xi32, #tpu.memory_space<vmem>>, vector<16xi32>,
      %get3A_513 = arith.index_cast %add3A_386 : i32 to index
      %get3A_514 = arith.constant 112 : index
      %get3A_515 = tpu.vector_load %arg6[%get3A_513, %get3A_514] {strides = array<i32>} : memref<80x128xi32, #tpu.memory_space<vmem>>, vector<1x16xi32>,
      %get3A_516 = vector.shape_cast %get3A_515 : vector<1x16xi32> to vector<16xi32>
      %and3A_517 = arith.constant 65535 : i32
      %and3A_518 = vector.broadcast %and3A_517 : i32 to vector<16xi32>
      %and3A_519 = arith.andi %get3A_516, %and3A_518 : vector<16xi32>
      %swap3A_520 = arith.constant 112 : index
      %swap3A_521 = tpu.vector_load %arg8[%swap3A_520] {strides = array<i32>} : memref<128xi32, #tpu.memory_space<vmem>>, vector<16xi32>,
      %swap3A_522 = vector.shape_cast %swap3A_521 : vector<16xi32> to vector<16xi32>
      %swap3A_523 = vector.shape_cast %and3A_519 : vector<16xi32> to vector<16xi32>
      tpu.vector_store %arg8[%swap3A_520], %swap3A_523 {strides = array<i32>} : memref<128xi32, #tpu.memory_space<vmem>>, vector<16xi32>,
      %shift_right_logical3A_524 = arith.constant 16 : i32
      %shift_right_logical3A_525 = vector.broadcast %shift_right_logical3A_524 : i32 to vector<16xi32>
      %shift_right_logical3A_526 = arith.shrui %get3A_516, %shift_right_logical3A_525 : vector<16xi32>
      %swap3A_527 = arith.constant 112 : index
      %swap3A_528 = tpu.vector_load %arg10[%swap3A_527] {strides = array<i32>} : memref<128xi32, #tpu.memory_space<vmem>>, vector<16xi32>,
      %swap3A_529 = vector.shape_cast %swap3A_528 : vector<16xi32> to vector<16xi32>
      %swap3A_530 = vector.shape_cast %shift_right_logical3A_526 : vector<16xi32> to vector<16xi32>
      tpu.vector_store %arg10[%swap3A_527], %swap3A_530 {strides = array<i32>} : memref<128xi32, #tpu.memory_space<vmem>>, vector<16xi32>,
      %dma_start3A_531 = arith.constant 0 : i32
      %dma_start3A_532 = arith.constant 0 : i32
      %dma_start3A_533 = tpu.memref_slice %arg2[%dma_start3A_531, %dma_start3A_532] : memref<10000x128xf32, #tpu.memory_space<hbm>> -> memref<10000x128xf32, #tpu.memory_space<hbm>>
      tpu.enqueue_indirect_dma source(%dma_start3A_533 : memref<10000x128xf32, #tpu.memory_space<hbm>>) target(%arg12 : memref<128x128xf32, #tpu.memory_space<vmem>>) offsets(%arg8 : memref<128xi32, #tpu.memory_space<vmem>>) semaphore(%arg14 : memref<!tpu.dma_semaphore, #tpu.memory_space<semaphore_mem>>)
      %dma_wait3A_534 = arith.constant 0 : i32
      %dma_wait3A_535 = arith.constant 0 : i32
      %dma_wait3A_536 = tpu.memref_slice %arg2[%dma_wait3A_534, %dma_wait3A_535] : memref<10000x128xf32, #tpu.memory_space<hbm>> -> memref<10000x128xf32, #tpu.memory_space<hbm>>
      tpu.wait_indirect_dma semaphore(%arg13 : memref<!tpu.dma_semaphore, #tpu.memory_space<semaphore_mem>>) src(%dma_wait3A_536 : memref<10000x128xf32, #tpu.memory_space<hbm>>) dst(%arg11 : memref<128x128xf32, #tpu.memory_space<vmem>>)
      "tpu.region"() ({
        %run_scoped3A = tpu.sem_alloc : memref<!tpu.dma_semaphore, #tpu.memory_space<semaphore_mem>>
        %dma_start3A_546 = arith.constant 0 : i32
        %dma_start3A_547 = arith.constant 0 : i32
        %dma_start3A_548 = tpu.memref_slice %arg5[%dma_start3A_546, %dma_start3A_547] : memref<10128x128xf32, #tpu.memory_space<vmem_shared>> -> memref<10128x128xf32, #tpu.memory_space<vmem_shared>>
        tpu.enqueue_indirect_dma source(%arg11 : memref<128x128xf32, #tpu.memory_space<vmem>>) target(%dma_start3A_548 : memref<10128x128xf32, #tpu.memory_space<vmem_shared>>) offsets(%arg9 : memref<128xi32, #tpu.memory_space<vmem>>) semaphore(%run_scoped3A : memref<!tpu.dma_semaphore, #tpu.memory_space<semaphore_mem>>) {add = true}
        %dma_wait3A_549 = arith.constant 0 : i32
        %dma_wait3A_550 = arith.constant 0 : i32
        %dma_wait3A_551 = tpu.memref_slice %arg5[%dma_wait3A_549, %dma_wait3A_550] : memref<10128x128xf32, #tpu.memory_space<vmem_shared>> -> memref<10128x128xf32, #tpu.memory_space<vmem_shared>>
        tpu.wait_indirect_dma semaphore(%run_scoped3A : memref<!tpu.dma_semaphore, #tpu.memory_space<semaphore_mem>>) src(%arg11 : memref<128x128xf32, #tpu.memory_space<vmem>>) dst(%dma_wait3A_551 : memref<10128x128xf32, #tpu.memory_space<vmem_shared>>)
        tpu.yield
      }) : () -> ()
      %add3A_537 = arith.constant 1 : i32
      %add3A_538 = arith.addi %mul3A_382, %add3A_537 : i32
      %lt3A = arith.constant 39 : i32
      %lt3A_539 = arith.cmpi slt, %scan3A_380, %lt3A : i32
      %convert_element_type3A_540 = arith.extui %lt3A_539 : i1 to i32
      %cond3A_541 = arith.constant 0 : i32
      %cond3A_542 = arith.cmpi ne, %convert_element_type3A_540, %cond3A_541 : i32
      scf.if %cond3A_542 {
        %add3A_546 = arith.constant 1 : i32
        %add3A_547 = arith.addi %add3A_538, %add3A_546 : i32
        %get3A_548 = arith.index_cast %add3A_547 : i32 to index
        %get3A_549 = arith.constant 0 : index
        %get3A_550 = tpu.vector_load %arg6[%get3A_548, %get3A_549] {strides = array<i32>} : memref<80x128xi32, #tpu.memory_space<vmem>>, vector<1x16xi32>,
        %get3A_551 = vector.shape_cast %get3A_550 : vector<1x16xi32> to vector<16xi32>
        %and3A_552 = arith.constant 65535 : i32
        %and3A_553 = vector.broadcast %and3A_552 : i32 to vector<16xi32>
        %and3A_554 = arith.andi %get3A_551, %and3A_553 : vector<16xi32>
        %swap3A_555 = arith.constant 0 : index
        %swap3A_556 = tpu.vector_load %arg7[%swap3A_555] {strides = array<i32>} : memref<128xi32, #tpu.memory_space<vmem>>, vector<16xi32>,
        %swap3A_557 = vector.shape_cast %swap3A_556 : vector<16xi32> to vector<16xi32>
        %swap3A_558 = vector.shape_cast %and3A_554 : vector<16xi32> to vector<16xi32>
        tpu.vector_store %arg7[%swap3A_555], %swap3A_558 {strides = array<i32>} : memref<128xi32, #tpu.memory_space<vmem>>, vector<16xi32>,
        %shift_right_logical3A_559 = arith.constant 16 : i32
        %shift_right_logical3A_560 = vector.broadcast %shift_right_logical3A_559 : i32 to vector<16xi32>
        %shift_right_logical3A_561 = arith.shrui %get3A_551, %shift_right_logical3A_560 : vector<16xi32>
        %swap3A_562 = arith.constant 0 : index
        %swap3A_563 = tpu.vector_load %arg9[%swap3A_562] {strides = array<i32>} : memref<128xi32, #tpu.memory_space<vmem>>, vector<16xi32>,
        %swap3A_564 = vector.shape_cast %swap3A_563 : vector<16xi32> to vector<16xi32>
        %swap3A_565 = vector.shape_cast %shift_right_logical3A_561 : vector<16xi32> to vector<16xi32>
        tpu.vector_store %arg9[%swap3A_562], %swap3A_565 {strides = array<i32>} : memref<128xi32, #tpu.memory_space<vmem>>, vector<16xi32>,
        %get3A_566 = arith.index_cast %add3A_547 : i32 to index
        %get3A_567 = arith.constant 16 : index
        %get3A_568 = tpu.vector_load %arg6[%get3A_566, %get3A_567] {strides = array<i32>} : memref<80x128xi32, #tpu.memory_space<vmem>>, vector<1x16xi32>,
        %get3A_569 = vector.shape_cast %get3A_568 : vector<1x16xi32> to vector<16xi32>
        %and3A_570 = arith.constant 65535 : i32
        %and3A_571 = vector.broadcast %and3A_570 : i32 to vector<16xi32>
        %and3A_572 = arith.andi %get3A_569, %and3A_571 : vector<16xi32>
        %swap3A_573 = arith.constant 16 : index
        %swap3A_574 = tpu.vector_load %arg7[%swap3A_573] {strides = array<i32>} : memref<128xi32, #tpu.memory_space<vmem>>, vector<16xi32>,
        %swap3A_575 = vector.shape_cast %swap3A_574 : vector<16xi32> to vector<16xi32>
        %swap3A_576 = vector.shape_cast %and3A_572 : vector<16xi32> to vector<16xi32>
        tpu.vector_store %arg7[%swap3A_573], %swap3A_576 {strides = array<i32>} : memref<128xi32, #tpu.memory_space<vmem>>, vector<16xi32>,
        %shift_right_logical3A_577 = arith.constant 16 : i32
        %shift_right_logical3A_578 = vector.broadcast %shift_right_logical3A_577 : i32 to vector<16xi32>
        %shift_right_logical3A_579 = arith.shrui %get3A_569, %shift_right_logical3A_578 : vector<16xi32>
        %swap3A_580 = arith.constant 16 : index
        %swap3A_581 = tpu.vector_load %arg9[%swap3A_580] {strides = array<i32>} : memref<128xi32, #tpu.memory_space<vmem>>, vector<16xi32>,
        %swap3A_582 = vector.shape_cast %swap3A_581 : vector<16xi32> to vector<16xi32>
        %swap3A_583 = vector.shape_cast %shift_right_logical3A_579 : vector<16xi32> to vector<16xi32>
        tpu.vector_store %arg9[%swap3A_580], %swap3A_583 {strides = array<i32>} : memref<128xi32, #tpu.memory_space<vmem>>, vector<16xi32>,
        %get3A_584 = arith.index_cast %add3A_547 : i32 to index
        %get3A_585 = arith.constant 32 : index
        %get3A_586 = tpu.vector_load %arg6[%get3A_584, %get3A_585] {strides = array<i32>} : memref<80x128xi32, #tpu.memory_space<vmem>>, vector<1x16xi32>,
        %get3A_587 = vector.shape_cast %get3A_586 : vector<1x16xi32> to vector<16xi32>
        %and3A_588 = arith.constant 65535 : i32
        %and3A_589 = vector.broadcast %and3A_588 : i32 to vector<16xi32>
        %and3A_590 = arith.andi %get3A_587, %and3A_589 : vector<16xi32>
        %swap3A_591 = arith.constant 32 : index
        %swap3A_592 = tpu.vector_load %arg7[%swap3A_591] {strides = array<i32>} : memref<128xi32, #tpu.memory_space<vmem>>, vector<16xi32>,
        %swap3A_593 = vector.shape_cast %swap3A_592 : vector<16xi32> to vector<16xi32>
        %swap3A_594 = vector.shape_cast %and3A_590 : vector<16xi32> to vector<16xi32>
        tpu.vector_store %arg7[%swap3A_591], %swap3A_594 {strides = array<i32>} : memref<128xi32, #tpu.memory_space<vmem>>, vector<16xi32>,
        %shift_right_logical3A_595 = arith.constant 16 : i32
        %shift_right_logical3A_596 = vector.broadcast %shift_right_logical3A_595 : i32 to vector<16xi32>
        %shift_right_logical3A_597 = arith.shrui %get3A_587, %shift_right_logical3A_596 : vector<16xi32>
        %swap3A_598 = arith.constant 32 : index
        %swap3A_599 = tpu.vector_load %arg9[%swap3A_598] {strides = array<i32>} : memref<128xi32, #tpu.memory_space<vmem>>, vector<16xi32>,
        %swap3A_600 = vector.shape_cast %swap3A_599 : vector<16xi32> to vector<16xi32>
        %swap3A_601 = vector.shape_cast %shift_right_logical3A_597 : vector<16xi32> to vector<16xi32>
        tpu.vector_store %arg9[%swap3A_598], %swap3A_601 {strides = array<i32>} : memref<128xi32, #tpu.memory_space<vmem>>, vector<16xi32>,
        %get3A_602 = arith.index_cast %add3A_547 : i32 to index
        %get3A_603 = arith.constant 48 : index
        %get3A_604 = tpu.vector_load %arg6[%get3A_602, %get3A_603] {strides = array<i32>} : memref<80x128xi32, #tpu.memory_space<vmem>>, vector<1x16xi32>,
        %get3A_605 = vector.shape_cast %get3A_604 : vector<1x16xi32> to vector<16xi32>
        %and3A_606 = arith.constant 65535 : i32
        %and3A_607 = vector.broadcast %and3A_606 : i32 to vector<16xi32>
        %and3A_608 = arith.andi %get3A_605, %and3A_607 : vector<16xi32>
        %swap3A_609 = arith.constant 48 : index
        %swap3A_610 = tpu.vector_load %arg7[%swap3A_609] {strides = array<i32>} : memref<128xi32, #tpu.memory_space<vmem>>, vector<16xi32>,
        %swap3A_611 = vector.shape_cast %swap3A_610 : vector<16xi32> to vector<16xi32>
        %swap3A_612 = vector.shape_cast %and3A_608 : vector<16xi32> to vector<16xi32>
        tpu.vector_store %arg7[%swap3A_609], %swap3A_612 {strides = array<i32>} : memref<128xi32, #tpu.memory_space<vmem>>, vector<16xi32>,
        %shift_right_logical3A_613 = arith.constant 16 : i32
        %shift_right_logical3A_614 = vector.broadcast %shift_right_logical3A_613 : i32 to vector<16xi32>
        %shift_right_logical3A_615 = arith.shrui %get3A_605, %shift_right_logical3A_614 : vector<16xi32>
        %swap3A_616 = arith.constant 48 : index
        %swap3A_617 = tpu.vector_load %arg9[%swap3A_616] {strides = array<i32>} : memref<128xi32, #tpu.memory_space<vmem>>, vector<16xi32>,
        %swap3A_618 = vector.shape_cast %swap3A_617 : vector<16xi32> to vector<16xi32>
        %swap3A_619 = vector.shape_cast %shift_right_logical3A_615 : vector<16xi32> to vector<16xi32>
        tpu.vector_store %arg9[%swap3A_616], %swap3A_619 {strides = array<i32>} : memref<128xi32, #tpu.memory_space<vmem>>, vector<16xi32>,
        %get3A_620 = arith.index_cast %add3A_547 : i32 to index
        %get3A_621 = arith.constant 64 : index
        %get3A_622 = tpu.vector_load %arg6[%get3A_620, %get3A_621] {strides = array<i32>} : memref<80x128xi32, #tpu.memory_space<vmem>>, vector<1x16xi32>,
        %get3A_623 = vector.shape_cast %get3A_622 : vector<1x16xi32> to vector<16xi32>
        %and3A_624 = arith.constant 65535 : i32
        %and3A_625 = vector.broadcast %and3A_624 : i32 to vector<16xi32>
        %and3A_626 = arith.andi %get3A_623, %and3A_625 : vector<16xi32>
        %swap3A_627 = arith.constant 64 : index
        %swap3A_628 = tpu.vector_load %arg7[%swap3A_627] {strides = array<i32>} : memref<128xi32, #tpu.memory_space<vmem>>, vector<16xi32>,
        %swap3A_629 = vector.shape_cast %swap3A_628 : vector<16xi32> to vector<16xi32>
        %swap3A_630 = vector.shape_cast %and3A_626 : vector<16xi32> to vector<16xi32>
        tpu.vector_store %arg7[%swap3A_627], %swap3A_630 {strides = array<i32>} : memref<128xi32, #tpu.memory_space<vmem>>, vector<16xi32>,
        %shift_right_logical3A_631 = arith.constant 16 : i32
        %shift_right_logical3A_632 = vector.broadcast %shift_right_logical3A_631 : i32 to vector<16xi32>
        %shift_right_logical3A_633 = arith.shrui %get3A_623, %shift_right_logical3A_632 : vector<16xi32>
        %swap3A_634 = arith.constant 64 : index
        %swap3A_635 = tpu.vector_load %arg9[%swap3A_634] {strides = array<i32>} : memref<128xi32, #tpu.memory_space<vmem>>, vector<16xi32>,
        %swap3A_636 = vector.shape_cast %swap3A_635 : vector<16xi32> to vector<16xi32>
        %swap3A_637 = vector.shape_cast %shift_right_logical3A_633 : vector<16xi32> to vector<16xi32>
        tpu.vector_store %arg9[%swap3A_634], %swap3A_637 {strides = array<i32>} : memref<128xi32, #tpu.memory_space<vmem>>, vector<16xi32>,
        %get3A_638 = arith.index_cast %add3A_547 : i32 to index
        %get3A_639 = arith.constant 80 : index
        %get3A_640 = tpu.vector_load %arg6[%get3A_638, %get3A_639] {strides = array<i32>} : memref<80x128xi32, #tpu.memory_space<vmem>>, vector<1x16xi32>,
        %get3A_641 = vector.shape_cast %get3A_640 : vector<1x16xi32> to vector<16xi32>
        %and3A_642 = arith.constant 65535 : i32
        %and3A_643 = vector.broadcast %and3A_642 : i32 to vector<16xi32>
        %and3A_644 = arith.andi %get3A_641, %and3A_643 : vector<16xi32>
        %swap3A_645 = arith.constant 80 : index
        %swap3A_646 = tpu.vector_load %arg7[%swap3A_645] {strides = array<i32>} : memref<128xi32, #tpu.memory_space<vmem>>, vector<16xi32>,
        %swap3A_647 = vector.shape_cast %swap3A_646 : vector<16xi32> to vector<16xi32>
        %swap3A_648 = vector.shape_cast %and3A_644 : vector<16xi32> to vector<16xi32>
        tpu.vector_store %arg7[%swap3A_645], %swap3A_648 {strides = array<i32>} : memref<128xi32, #tpu.memory_space<vmem>>, vector<16xi32>,
        %shift_right_logical3A_649 = arith.constant 16 : i32
        %shift_right_logical3A_650 = vector.broadcast %shift_right_logical3A_649 : i32 to vector<16xi32>
        %shift_right_logical3A_651 = arith.shrui %get3A_641, %shift_right_logical3A_650 : vector<16xi32>
        %swap3A_652 = arith.constant 80 : index
        %swap3A_653 = tpu.vector_load %arg9[%swap3A_652] {strides = array<i32>} : memref<128xi32, #tpu.memory_space<vmem>>, vector<16xi32>,
        %swap3A_654 = vector.shape_cast %swap3A_653 : vector<16xi32> to vector<16xi32>
        %swap3A_655 = vector.shape_cast %shift_right_logical3A_651 : vector<16xi32> to vector<16xi32>
        tpu.vector_store %arg9[%swap3A_652], %swap3A_655 {strides = array<i32>} : memref<128xi32, #tpu.memory_space<vmem>>, vector<16xi32>,
        %get3A_656 = arith.index_cast %add3A_547 : i32 to index
        %get3A_657 = arith.constant 96 : index
        %get3A_658 = tpu.vector_load %arg6[%get3A_656, %get3A_657] {strides = array<i32>} : memref<80x128xi32, #tpu.memory_space<vmem>>, vector<1x16xi32>,
        %get3A_659 = vector.shape_cast %get3A_658 : vector<1x16xi32> to vector<16xi32>
        %and3A_660 = arith.constant 65535 : i32
        %and3A_661 = vector.broadcast %and3A_660 : i32 to vector<16xi32>
        %and3A_662 = arith.andi %get3A_659, %and3A_661 : vector<16xi32>
        %swap3A_663 = arith.constant 96 : index
        %swap3A_664 = tpu.vector_load %arg7[%swap3A_663] {strides = array<i32>} : memref<128xi32, #tpu.memory_space<vmem>>, vector<16xi32>,
        %swap3A_665 = vector.shape_cast %swap3A_664 : vector<16xi32> to vector<16xi32>
        %swap3A_666 = vector.shape_cast %and3A_662 : vector<16xi32> to vector<16xi32>
        tpu.vector_store %arg7[%swap3A_663], %swap3A_666 {strides = array<i32>} : memref<128xi32, #tpu.memory_space<vmem>>, vector<16xi32>,
        %shift_right_logical3A_667 = arith.constant 16 : i32
        %shift_right_logical3A_668 = vector.broadcast %shift_right_logical3A_667 : i32 to vector<16xi32>
        %shift_right_logical3A_669 = arith.shrui %get3A_659, %shift_right_logical3A_668 : vector<16xi32>
        %swap3A_670 = arith.constant 96 : index
        %swap3A_671 = tpu.vector_load %arg9[%swap3A_670] {strides = array<i32>} : memref<128xi32, #tpu.memory_space<vmem>>, vector<16xi32>,
        %swap3A_672 = vector.shape_cast %swap3A_671 : vector<16xi32> to vector<16xi32>
        %swap3A_673 = vector.shape_cast %shift_right_logical3A_669 : vector<16xi32> to vector<16xi32>
        tpu.vector_store %arg9[%swap3A_670], %swap3A_673 {strides = array<i32>} : memref<128xi32, #tpu.memory_space<vmem>>, vector<16xi32>,
        %get3A_674 = arith.index_cast %add3A_547 : i32 to index
        %get3A_675 = arith.constant 112 : index
        %get3A_676 = tpu.vector_load %arg6[%get3A_674, %get3A_675] {strides = array<i32>} : memref<80x128xi32, #tpu.memory_space<vmem>>, vector<1x16xi32>,
        %get3A_677 = vector.shape_cast %get3A_676 : vector<1x16xi32> to vector<16xi32>
        %and3A_678 = arith.constant 65535 : i32
        %and3A_679 = vector.broadcast %and3A_678 : i32 to vector<16xi32>
        %and3A_680 = arith.andi %get3A_677, %and3A_679 : vector<16xi32>
        %swap3A_681 = arith.constant 112 : index
        %swap3A_682 = tpu.vector_load %arg7[%swap3A_681] {strides = array<i32>} : memref<128xi32, #tpu.memory_space<vmem>>, vector<16xi32>,
        %swap3A_683 = vector.shape_cast %swap3A_682 : vector<16xi32> to vector<16xi32>
        %swap3A_684 = vector.shape_cast %and3A_680 : vector<16xi32> to vector<16xi32>
        tpu.vector_store %arg7[%swap3A_681], %swap3A_684 {strides = array<i32>} : memref<128xi32, #tpu.memory_space<vmem>>, vector<16xi32>,
        %shift_right_logical3A_685 = arith.constant 16 : i32
        %shift_right_logical3A_686 = vector.broadcast %shift_right_logical3A_685 : i32 to vector<16xi32>
        %shift_right_logical3A_687 = arith.shrui %get3A_677, %shift_right_logical3A_686 : vector<16xi32>
        %swap3A_688 = arith.constant 112 : index
        %swap3A_689 = tpu.vector_load %arg9[%swap3A_688] {strides = array<i32>} : memref<128xi32, #tpu.memory_space<vmem>>, vector<16xi32>,
        %swap3A_690 = vector.shape_cast %swap3A_689 : vector<16xi32> to vector<16xi32>
        %swap3A_691 = vector.shape_cast %shift_right_logical3A_687 : vector<16xi32> to vector<16xi32>
        tpu.vector_store %arg9[%swap3A_688], %swap3A_691 {strides = array<i32>} : memref<128xi32, #tpu.memory_space<vmem>>, vector<16xi32>,
        %dma_start3A_692 = arith.constant 0 : i32
        %dma_start3A_693 = arith.constant 0 : i32
        %dma_start3A_694 = tpu.memref_slice %arg2[%dma_start3A_692, %dma_start3A_693] : memref<10000x128xf32, #tpu.memory_space<hbm>> -> memref<10000x128xf32, #tpu.memory_space<hbm>>
        tpu.enqueue_indirect_dma source(%dma_start3A_694 : memref<10000x128xf32, #tpu.memory_space<hbm>>) target(%arg11 : memref<128x128xf32, #tpu.memory_space<vmem>>) offsets(%arg7 : memref<128xi32, #tpu.memory_space<vmem>>) semaphore(%arg13 : memref<!tpu.dma_semaphore, #tpu.memory_space<semaphore_mem>>)
      } else {
      }
      %dma_wait3A_543 = arith.constant 0 : i32
      %dma_wait3A_544 = arith.constant 0 : i32
      %dma_wait3A_545 = tpu.memref_slice %arg2[%dma_wait3A_543, %dma_wait3A_544] : memref<10000x128xf32, #tpu.memory_space<hbm>> -> memref<10000x128xf32, #tpu.memory_space<hbm>>
      tpu.wait_indirect_dma semaphore(%arg14 : memref<!tpu.dma_semaphore, #tpu.memory_space<semaphore_mem>>) src(%dma_wait3A_545 : memref<10000x128xf32, #tpu.memory_space<hbm>>) dst(%arg12 : memref<128x128xf32, #tpu.memory_space<vmem>>)
      "tpu.region"() ({
        %run_scoped3A = tpu.sem_alloc : memref<!tpu.dma_semaphore, #tpu.memory_space<semaphore_mem>>
        %dma_start3A_546 = arith.constant 0 : i32
        %dma_start3A_547 = arith.constant 0 : i32
        %dma_start3A_548 = tpu.memref_slice %arg5[%dma_start3A_546, %dma_start3A_547] : memref<10128x128xf32, #tpu.memory_space<vmem_shared>> -> memref<10128x128xf32, #tpu.memory_space<vmem_shared>>
        tpu.enqueue_indirect_dma source(%arg12 : memref<128x128xf32, #tpu.memory_space<vmem>>) target(%dma_start3A_548 : memref<10128x128xf32, #tpu.memory_space<vmem_shared>>) offsets(%arg10 : memref<128xi32, #tpu.memory_space<vmem>>) semaphore(%run_scoped3A : memref<!tpu.dma_semaphore, #tpu.memory_space<semaphore_mem>>) {add = true}
        %dma_wait3A_549 = arith.constant 0 : i32
        %dma_wait3A_550 = arith.constant 0 : i32
        %dma_wait3A_551 = tpu.memref_slice %arg5[%dma_wait3A_549, %dma_wait3A_550] : memref<10128x128xf32, #tpu.memory_space<vmem_shared>> -> memref<10128x128xf32, #tpu.memory_space<vmem_shared>>
        tpu.wait_indirect_dma semaphore(%run_scoped3A : memref<!tpu.dma_semaphore, #tpu.memory_space<semaphore_mem>>) src(%arg12 : memref<128x128xf32, #tpu.memory_space<vmem>>) dst(%dma_wait3A_551 : memref<10128x128xf32, #tpu.memory_space<vmem_shared>>)
        tpu.yield
      }) : () -> ()
    }
    %scan3A_243 = arith.constant 40 : i32
    %barrier3A_244 = arith.constant 0 : index
    tpu.barrier barrier_id(%barrier3A_244)
    %add3A_245 = arith.constant 0 : i32
    %add3A_246 = arith.addi %mul3A_15, %add3A_245 : i32
    %add3A_247 = arith.constant 128 : i32
    %add3A_248 = arith.addi %mul3A_15, %add3A_247 : i32
    %add3A_249 = arith.constant 256 : i32
    %add3A_250 = arith.addi %mul3A_15, %add3A_249 : i32
    %add3A_251 = arith.constant 384 : i32
    %add3A_252 = arith.addi %mul3A_15, %add3A_251 : i32
    %add3A_253 = arith.constant 512 : i32
    %add3A_254 = arith.addi %mul3A_15, %add3A_253 : i32
    "tpu.region"() ({
      %run_scoped3A = tpu.sem_alloc : memref<!tpu.dma_semaphore, #tpu.memory_space<semaphore_mem>>
      %dma_start3A_380 = arith.constant 0 : i32
      %dma_start3A_381 = arith.constant 0 : i32
      %dma_start3A_382 = tpu.memref_slice %arg11[%dma_start3A_380, %dma_start3A_381] : memref<128x128xf32, #tpu.memory_space<vmem>> -> memref<128x128xf32, #tpu.memory_space<vmem>>
      %dma_start3A_383 = arith.constant 0 : i32
      %dma_start3A_384 = tpu.memref_slice %arg5[%add3A_246, %dma_start3A_383] : memref<10128x128xf32, #tpu.memory_space<vmem_shared>> -> memref<128x128xf32, #tpu.memory_space<vmem_shared>>
      %dma_start3A_385 = arith.constant 0 : i32
      %dma_start3A_386 = arith.constant 0 : i32
      %dma_start3A_387 = tpu.memref_slice %arg11[%dma_start3A_385, %dma_start3A_386] : memref<128x128xf32, #tpu.memory_space<vmem>> -> memref<128x128xf32, #tpu.memory_space<vmem>>
      %dma_start3A_388 = arith.constant 0 : i32
      %dma_start3A_389 = tpu.memref_slice %arg5[%add3A_246, %dma_start3A_388] : memref<10128x128xf32, #tpu.memory_space<vmem_shared>> -> memref<128x128xf32, #tpu.memory_space<vmem_shared>>
      tpu.enqueue_dma source(%dma_start3A_389 : memref<128x128xf32, #tpu.memory_space<vmem_shared>>) target(%dma_start3A_387 : memref<128x128xf32, #tpu.memory_space<vmem>>) target_semaphore(%run_scoped3A : memref<!tpu.dma_semaphore, #tpu.memory_space<semaphore_mem>>)
      %dma_wait3A_390 = arith.constant 0 : i32
      %dma_wait3A_391 = arith.constant 0 : i32
      %dma_wait3A_392 = tpu.memref_slice %arg11[%dma_wait3A_390, %dma_wait3A_391] : memref<128x128xf32, #tpu.memory_space<vmem>> -> memref<128x128xf32, #tpu.memory_space<vmem>>
      %dma_wait3A_393 = arith.constant 0 : i32
      %dma_wait3A_394 = tpu.memref_slice %arg5[%add3A_246, %dma_wait3A_393] : memref<10128x128xf32, #tpu.memory_space<vmem_shared>> -> memref<128x128xf32, #tpu.memory_space<vmem_shared>>
      %dma_wait3A_395 = arith.constant 0 : i32
      %dma_wait3A_396 = arith.constant 0 : i32
      %dma_wait3A_397 = tpu.memref_slice %arg11[%dma_wait3A_395, %dma_wait3A_396] : memref<128x128xf32, #tpu.memory_space<vmem>> -> memref<128x128xf32, #tpu.memory_space<vmem>>
      %dma_wait3A_398 = arith.constant 0 : i32
      %dma_wait3A_399 = tpu.memref_slice %arg5[%add3A_246, %dma_wait3A_398] : memref<10128x128xf32, #tpu.memory_space<vmem_shared>> -> memref<128x128xf32, #tpu.memory_space<vmem_shared>>
      tpu.wait_dma2 semaphore(%run_scoped3A : memref<!tpu.dma_semaphore, #tpu.memory_space<semaphore_mem>>) src(%dma_wait3A_399 : memref<128x128xf32, #tpu.memory_space<vmem_shared>>) dst(%dma_wait3A_397 : memref<128x128xf32, #tpu.memory_space<vmem>>)
      tpu.yield
    }) : () -> ()
    %dma_start3A_255 = arith.constant 0 : i32
    %dma_start3A_256 = arith.constant 0 : i32
    %dma_start3A_257 = tpu.memref_slice %arg11[%dma_start3A_255, %dma_start3A_256] : memref<128x128xf32, #tpu.memory_space<vmem>> -> memref<128x128xf32, #tpu.memory_space<vmem>>
    %dma_start3A_258 = arith.constant 0 : i32
    %dma_start3A_259 = tpu.memref_slice %arg4[%arg0, %add3A_246, %dma_start3A_258] : memref<2x10000x128xf32, #tpu.memory_space<hbm>> -> memref<1x128x128xf32, #tpu.memory_space<hbm>>
    %dma_start3A_260 = tpu.memref_squeeze %dma_start3A_259 : memref<1x128x128xf32, #tpu.memory_space<hbm>> -> memref<128x128xf32, #tpu.memory_space<hbm>>
    %dma_start3A_261 = arith.constant 0 : i32
    %dma_start3A_262 = tpu.memref_slice %arg4[%arg0, %add3A_246, %dma_start3A_261] : memref<2x10000x128xf32, #tpu.memory_space<hbm>> -> memref<1x128x128xf32, #tpu.memory_space<hbm>>
    %dma_start3A_263 = tpu.memref_squeeze %dma_start3A_262 : memref<1x128x128xf32, #tpu.memory_space<hbm>> -> memref<128x128xf32, #tpu.memory_space<hbm>>
    %dma_start3A_264 = arith.constant 0 : i32
    %dma_start3A_265 = arith.constant 0 : i32
    %dma_start3A_266 = tpu.memref_slice %arg11[%dma_start3A_264, %dma_start3A_265] : memref<128x128xf32, #tpu.memory_space<vmem>> -> memref<128x128xf32, #tpu.memory_space<vmem>>
    tpu.enqueue_dma source(%dma_start3A_266 : memref<128x128xf32, #tpu.memory_space<vmem>>) target(%dma_start3A_263 : memref<128x128xf32, #tpu.memory_space<hbm>>) target_semaphore(%arg13 : memref<!tpu.dma_semaphore, #tpu.memory_space<semaphore_mem>>)
    "tpu.region"() ({
      %run_scoped3A = tpu.sem_alloc : memref<!tpu.dma_semaphore, #tpu.memory_space<semaphore_mem>>
      %dma_start3A_380 = arith.constant 0 : i32
      %dma_start3A_381 = arith.constant 0 : i32
      %dma_start3A_382 = tpu.memref_slice %arg12[%dma_start3A_380, %dma_start3A_381] : memref<128x128xf32, #tpu.memory_space<vmem>> -> memref<128x128xf32, #tpu.memory_space<vmem>>
      %dma_start3A_383 = arith.constant 0 : i32
      %dma_start3A_384 = tpu.memref_slice %arg5[%add3A_248, %dma_start3A_383] : memref<10128x128xf32, #tpu.memory_space<vmem_shared>> -> memref<128x128xf32, #tpu.memory_space<vmem_shared>>
      %dma_start3A_385 = arith.constant 0 : i32
      %dma_start3A_386 = arith.constant 0 : i32
      %dma_start3A_387 = tpu.memref_slice %arg12[%dma_start3A_385, %dma_start3A_386] : memref<128x128xf32, #tpu.memory_space<vmem>> -> memref<128x128xf32, #tpu.memory_space<vmem>>
      %dma_start3A_388 = arith.constant 0 : i32
      %dma_start3A_389 = tpu.memref_slice %arg5[%add3A_248, %dma_start3A_388] : memref<10128x128xf32, #tpu.memory_space<vmem_shared>> -> memref<128x128xf32, #tpu.memory_space<vmem_shared>>
      tpu.enqueue_dma source(%dma_start3A_389 : memref<128x128xf32, #tpu.memory_space<vmem_shared>>) target(%dma_start3A_387 : memref<128x128xf32, #tpu.memory_space<vmem>>) target_semaphore(%run_scoped3A : memref<!tpu.dma_semaphore, #tpu.memory_space<semaphore_mem>>)
      %dma_wait3A_390 = arith.constant 0 : i32
      %dma_wait3A_391 = arith.constant 0 : i32
      %dma_wait3A_392 = tpu.memref_slice %arg12[%dma_wait3A_390, %dma_wait3A_391] : memref<128x128xf32, #tpu.memory_space<vmem>> -> memref<128x128xf32, #tpu.memory_space<vmem>>
      %dma_wait3A_393 = arith.constant 0 : i32
      %dma_wait3A_394 = tpu.memref_slice %arg5[%add3A_248, %dma_wait3A_393] : memref<10128x128xf32, #tpu.memory_space<vmem_shared>> -> memref<128x128xf32, #tpu.memory_space<vmem_shared>>
      %dma_wait3A_395 = arith.constant 0 : i32
      %dma_wait3A_396 = arith.constant 0 : i32
      %dma_wait3A_397 = tpu.memref_slice %arg12[%dma_wait3A_395, %dma_wait3A_396] : memref<128x128xf32, #tpu.memory_space<vmem>> -> memref<128x128xf32, #tpu.memory_space<vmem>>
      %dma_wait3A_398 = arith.constant 0 : i32
      %dma_wait3A_399 = tpu.memref_slice %arg5[%add3A_248, %dma_wait3A_398] : memref<10128x128xf32, #tpu.memory_space<vmem_shared>> -> memref<128x128xf32, #tpu.memory_space<vmem_shared>>
      tpu.wait_dma2 semaphore(%run_scoped3A : memref<!tpu.dma_semaphore, #tpu.memory_space<semaphore_mem>>) src(%dma_wait3A_399 : memref<128x128xf32, #tpu.memory_space<vmem_shared>>) dst(%dma_wait3A_397 : memref<128x128xf32, #tpu.memory_space<vmem>>)
      tpu.yield
    }) : () -> ()
    %dma_start3A_267 = arith.constant 0 : i32
    %dma_start3A_268 = arith.constant 0 : i32
    %dma_start3A_269 = tpu.memref_slice %arg12[%dma_start3A_267, %dma_start3A_268] : memref<128x128xf32, #tpu.memory_space<vmem>> -> memref<128x128xf32, #tpu.memory_space<vmem>>
    %dma_start3A_270 = arith.constant 0 : i32
    %dma_start3A_271 = tpu.memref_slice %arg4[%arg0, %add3A_248, %dma_start3A_270] : memref<2x10000x128xf32, #tpu.memory_space<hbm>> -> memref<1x128x128xf32, #tpu.memory_space<hbm>>
    %dma_start3A_272 = tpu.memref_squeeze %dma_start3A_271 : memref<1x128x128xf32, #tpu.memory_space<hbm>> -> memref<128x128xf32, #tpu.memory_space<hbm>>
    %dma_start3A_273 = arith.constant 0 : i32
    %dma_start3A_274 = tpu.memref_slice %arg4[%arg0, %add3A_248, %dma_start3A_273] : memref<2x10000x128xf32, #tpu.memory_space<hbm>> -> memref<1x128x128xf32, #tpu.memory_space<hbm>>
    %dma_start3A_275 = tpu.memref_squeeze %dma_start3A_274 : memref<1x128x128xf32, #tpu.memory_space<hbm>> -> memref<128x128xf32, #tpu.memory_space<hbm>>
    %dma_start3A_276 = arith.constant 0 : i32
    %dma_start3A_277 = arith.constant 0 : i32
    %dma_start3A_278 = tpu.memref_slice %arg12[%dma_start3A_276, %dma_start3A_277] : memref<128x128xf32, #tpu.memory_space<vmem>> -> memref<128x128xf32, #tpu.memory_space<vmem>>
    tpu.enqueue_dma source(%dma_start3A_278 : memref<128x128xf32, #tpu.memory_space<vmem>>) target(%dma_start3A_275 : memref<128x128xf32, #tpu.memory_space<hbm>>) target_semaphore(%arg14 : memref<!tpu.dma_semaphore, #tpu.memory_space<semaphore_mem>>)
    %dma_wait3A_279 = arith.constant 0 : i32
    %dma_wait3A_280 = arith.constant 0 : i32
    %dma_wait3A_281 = tpu.memref_slice %arg11[%dma_wait3A_279, %dma_wait3A_280] : memref<128x128xf32, #tpu.memory_space<vmem>> -> memref<128x128xf32, #tpu.memory_space<vmem>>
    %dma_wait3A_282 = arith.constant 0 : i32
    %dma_wait3A_283 = tpu.memref_slice %arg4[%arg0, %add3A_246, %dma_wait3A_282] : memref<2x10000x128xf32, #tpu.memory_space<hbm>> -> memref<1x128x128xf32, #tpu.memory_space<hbm>>
    %dma_wait3A_284 = tpu.memref_squeeze %dma_wait3A_283 : memref<1x128x128xf32, #tpu.memory_space<hbm>> -> memref<128x128xf32, #tpu.memory_space<hbm>>
    %dma_wait3A_285 = arith.constant 0 : i32
    %dma_wait3A_286 = tpu.memref_slice %arg4[%arg0, %add3A_246, %dma_wait3A_285] : memref<2x10000x128xf32, #tpu.memory_space<hbm>> -> memref<1x128x128xf32, #tpu.memory_space<hbm>>
    %dma_wait3A_287 = tpu.memref_squeeze %dma_wait3A_286 : memref<1x128x128xf32, #tpu.memory_space<hbm>> -> memref<128x128xf32, #tpu.memory_space<hbm>>
    %dma_wait3A_288 = arith.constant 0 : i32
    %dma_wait3A_289 = arith.constant 0 : i32
    %dma_wait3A_290 = tpu.memref_slice %arg11[%dma_wait3A_288, %dma_wait3A_289] : memref<128x128xf32, #tpu.memory_space<vmem>> -> memref<128x128xf32, #tpu.memory_space<vmem>>
    tpu.wait_dma2 semaphore(%arg13 : memref<!tpu.dma_semaphore, #tpu.memory_space<semaphore_mem>>) src(%dma_wait3A_290 : memref<128x128xf32, #tpu.memory_space<vmem>>) dst(%dma_wait3A_287 : memref<128x128xf32, #tpu.memory_space<hbm>>)
    "tpu.region"() ({
      %run_scoped3A = tpu.sem_alloc : memref<!tpu.dma_semaphore, #tpu.memory_space<semaphore_mem>>
      %dma_start3A_380 = arith.constant 0 : i32
      %dma_start3A_381 = arith.constant 0 : i32
      %dma_start3A_382 = tpu.memref_slice %arg11[%dma_start3A_380, %dma_start3A_381] : memref<128x128xf32, #tpu.memory_space<vmem>> -> memref<128x128xf32, #tpu.memory_space<vmem>>
      %dma_start3A_383 = arith.constant 0 : i32
      %dma_start3A_384 = tpu.memref_slice %arg5[%add3A_250, %dma_start3A_383] : memref<10128x128xf32, #tpu.memory_space<vmem_shared>> -> memref<128x128xf32, #tpu.memory_space<vmem_shared>>
      %dma_start3A_385 = arith.constant 0 : i32
      %dma_start3A_386 = arith.constant 0 : i32
      %dma_start3A_387 = tpu.memref_slice %arg11[%dma_start3A_385, %dma_start3A_386] : memref<128x128xf32, #tpu.memory_space<vmem>> -> memref<128x128xf32, #tpu.memory_space<vmem>>
      %dma_start3A_388 = arith.constant 0 : i32
      %dma_start3A_389 = tpu.memref_slice %arg5[%add3A_250, %dma_start3A_388] : memref<10128x128xf32, #tpu.memory_space<vmem_shared>> -> memref<128x128xf32, #tpu.memory_space<vmem_shared>>
      tpu.enqueue_dma source(%dma_start3A_389 : memref<128x128xf32, #tpu.memory_space<vmem_shared>>) target(%dma_start3A_387 : memref<128x128xf32, #tpu.memory_space<vmem>>) target_semaphore(%run_scoped3A : memref<!tpu.dma_semaphore, #tpu.memory_space<semaphore_mem>>)
      %dma_wait3A_390 = arith.constant 0 : i32
      %dma_wait3A_391 = arith.constant 0 : i32
      %dma_wait3A_392 = tpu.memref_slice %arg11[%dma_wait3A_390, %dma_wait3A_391] : memref<128x128xf32, #tpu.memory_space<vmem>> -> memref<128x128xf32, #tpu.memory_space<vmem>>
      %dma_wait3A_393 = arith.constant 0 : i32
      %dma_wait3A_394 = tpu.memref_slice %arg5[%add3A_250, %dma_wait3A_393] : memref<10128x128xf32, #tpu.memory_space<vmem_shared>> -> memref<128x128xf32, #tpu.memory_space<vmem_shared>>
      %dma_wait3A_395 = arith.constant 0 : i32
      %dma_wait3A_396 = arith.constant 0 : i32
      %dma_wait3A_397 = tpu.memref_slice %arg11[%dma_wait3A_395, %dma_wait3A_396] : memref<128x128xf32, #tpu.memory_space<vmem>> -> memref<128x128xf32, #tpu.memory_space<vmem>>
      %dma_wait3A_398 = arith.constant 0 : i32
      %dma_wait3A_399 = tpu.memref_slice %arg5[%add3A_250, %dma_wait3A_398] : memref<10128x128xf32, #tpu.memory_space<vmem_shared>> -> memref<128x128xf32, #tpu.memory_space<vmem_shared>>
      tpu.wait_dma2 semaphore(%run_scoped3A : memref<!tpu.dma_semaphore, #tpu.memory_space<semaphore_mem>>) src(%dma_wait3A_399 : memref<128x128xf32, #tpu.memory_space<vmem_shared>>) dst(%dma_wait3A_397 : memref<128x128xf32, #tpu.memory_space<vmem>>)
      tpu.yield
    }) : () -> ()
    %dma_start3A_291 = arith.constant 0 : i32
    %dma_start3A_292 = arith.constant 0 : i32
    %dma_start3A_293 = tpu.memref_slice %arg11[%dma_start3A_291, %dma_start3A_292] : memref<128x128xf32, #tpu.memory_space<vmem>> -> memref<128x128xf32, #tpu.memory_space<vmem>>
    %dma_start3A_294 = arith.constant 0 : i32
    %dma_start3A_295 = tpu.memref_slice %arg4[%arg0, %add3A_250, %dma_start3A_294] : memref<2x10000x128xf32, #tpu.memory_space<hbm>> -> memref<1x128x128xf32, #tpu.memory_space<hbm>>
    %dma_start3A_296 = tpu.memref_squeeze %dma_start3A_295 : memref<1x128x128xf32, #tpu.memory_space<hbm>> -> memref<128x128xf32, #tpu.memory_space<hbm>>
    %dma_start3A_297 = arith.constant 0 : i32
    %dma_start3A_298 = tpu.memref_slice %arg4[%arg0, %add3A_250, %dma_start3A_297] : memref<2x10000x128xf32, #tpu.memory_space<hbm>> -> memref<1x128x128xf32, #tpu.memory_space<hbm>>
    %dma_start3A_299 = tpu.memref_squeeze %dma_start3A_298 : memref<1x128x128xf32, #tpu.memory_space<hbm>> -> memref<128x128xf32, #tpu.memory_space<hbm>>
    %dma_start3A_300 = arith.constant 0 : i32
    %dma_start3A_301 = arith.constant 0 : i32
    %dma_start3A_302 = tpu.memref_slice %arg11[%dma_start3A_300, %dma_start3A_301] : memref<128x128xf32, #tpu.memory_space<vmem>> -> memref<128x128xf32, #tpu.memory_space<vmem>>
    tpu.enqueue_dma source(%dma_start3A_302 : memref<128x128xf32, #tpu.memory_space<vmem>>) target(%dma_start3A_299 : memref<128x128xf32, #tpu.memory_space<hbm>>) target_semaphore(%arg13 : memref<!tpu.dma_semaphore, #tpu.memory_space<semaphore_mem>>)
    %dma_wait3A_303 = arith.constant 0 : i32
    %dma_wait3A_304 = arith.constant 0 : i32
    %dma_wait3A_305 = tpu.memref_slice %arg12[%dma_wait3A_303, %dma_wait3A_304] : memref<128x128xf32, #tpu.memory_space<vmem>> -> memref<128x128xf32, #tpu.memory_space<vmem>>
    %dma_wait3A_306 = arith.constant 0 : i32
    %dma_wait3A_307 = tpu.memref_slice %arg4[%arg0, %add3A_248, %dma_wait3A_306] : memref<2x10000x128xf32, #tpu.memory_space<hbm>> -> memref<1x128x128xf32, #tpu.memory_space<hbm>>
    %dma_wait3A_308 = tpu.memref_squeeze %dma_wait3A_307 : memref<1x128x128xf32, #tpu.memory_space<hbm>> -> memref<128x128xf32, #tpu.memory_space<hbm>>
    %dma_wait3A_309 = arith.constant 0 : i32
    %dma_wait3A_310 = tpu.memref_slice %arg4[%arg0, %add3A_248, %dma_wait3A_309] : memref<2x10000x128xf32, #tpu.memory_space<hbm>> -> memref<1x128x128xf32, #tpu.memory_space<hbm>>
    %dma_wait3A_311 = tpu.memref_squeeze %dma_wait3A_310 : memref<1x128x128xf32, #tpu.memory_space<hbm>> -> memref<128x128xf32, #tpu.memory_space<hbm>>
    %dma_wait3A_312 = arith.constant 0 : i32
    %dma_wait3A_313 = arith.constant 0 : i32
    %dma_wait3A_314 = tpu.memref_slice %arg12[%dma_wait3A_312, %dma_wait3A_313] : memref<128x128xf32, #tpu.memory_space<vmem>> -> memref<128x128xf32, #tpu.memory_space<vmem>>
    tpu.wait_dma2 semaphore(%arg14 : memref<!tpu.dma_semaphore, #tpu.memory_space<semaphore_mem>>) src(%dma_wait3A_314 : memref<128x128xf32, #tpu.memory_space<vmem>>) dst(%dma_wait3A_311 : memref<128x128xf32, #tpu.memory_space<hbm>>)
    "tpu.region"() ({
      %run_scoped3A = tpu.sem_alloc : memref<!tpu.dma_semaphore, #tpu.memory_space<semaphore_mem>>
      %dma_start3A_380 = arith.constant 0 : i32
      %dma_start3A_381 = arith.constant 0 : i32
      %dma_start3A_382 = tpu.memref_slice %arg12[%dma_start3A_380, %dma_start3A_381] : memref<128x128xf32, #tpu.memory_space<vmem>> -> memref<128x128xf32, #tpu.memory_space<vmem>>
      %dma_start3A_383 = arith.constant 0 : i32
      %dma_start3A_384 = tpu.memref_slice %arg5[%add3A_252, %dma_start3A_383] : memref<10128x128xf32, #tpu.memory_space<vmem_shared>> -> memref<128x128xf32, #tpu.memory_space<vmem_shared>>
      %dma_start3A_385 = arith.constant 0 : i32
      %dma_start3A_386 = arith.constant 0 : i32
      %dma_start3A_387 = tpu.memref_slice %arg12[%dma_start3A_385, %dma_start3A_386] : memref<128x128xf32, #tpu.memory_space<vmem>> -> memref<128x128xf32, #tpu.memory_space<vmem>>
      %dma_start3A_388 = arith.constant 0 : i32
      %dma_start3A_389 = tpu.memref_slice %arg5[%add3A_252, %dma_start3A_388] : memref<10128x128xf32, #tpu.memory_space<vmem_shared>> -> memref<128x128xf32, #tpu.memory_space<vmem_shared>>
      tpu.enqueue_dma source(%dma_start3A_389 : memref<128x128xf32, #tpu.memory_space<vmem_shared>>) target(%dma_start3A_387 : memref<128x128xf32, #tpu.memory_space<vmem>>) target_semaphore(%run_scoped3A : memref<!tpu.dma_semaphore, #tpu.memory_space<semaphore_mem>>)
      %dma_wait3A_390 = arith.constant 0 : i32
      %dma_wait3A_391 = arith.constant 0 : i32
      %dma_wait3A_392 = tpu.memref_slice %arg12[%dma_wait3A_390, %dma_wait3A_391] : memref<128x128xf32, #tpu.memory_space<vmem>> -> memref<128x128xf32, #tpu.memory_space<vmem>>
      %dma_wait3A_393 = arith.constant 0 : i32
      %dma_wait3A_394 = tpu.memref_slice %arg5[%add3A_252, %dma_wait3A_393] : memref<10128x128xf32, #tpu.memory_space<vmem_shared>> -> memref<128x128xf32, #tpu.memory_space<vmem_shared>>
      %dma_wait3A_395 = arith.constant 0 : i32
      %dma_wait3A_396 = arith.constant 0 : i32
      %dma_wait3A_397 = tpu.memref_slice %arg12[%dma_wait3A_395, %dma_wait3A_396] : memref<128x128xf32, #tpu.memory_space<vmem>> -> memref<128x128xf32, #tpu.memory_space<vmem>>
      %dma_wait3A_398 = arith.constant 0 : i32
      %dma_wait3A_399 = tpu.memref_slice %arg5[%add3A_252, %dma_wait3A_398] : memref<10128x128xf32, #tpu.memory_space<vmem_shared>> -> memref<128x128xf32, #tpu.memory_space<vmem_shared>>
      tpu.wait_dma2 semaphore(%run_scoped3A : memref<!tpu.dma_semaphore, #tpu.memory_space<semaphore_mem>>) src(%dma_wait3A_399 : memref<128x128xf32, #tpu.memory_space<vmem_shared>>) dst(%dma_wait3A_397 : memref<128x128xf32, #tpu.memory_space<vmem>>)
      tpu.yield
    }) : () -> ()
    %dma_start3A_315 = arith.constant 0 : i32
    %dma_start3A_316 = arith.constant 0 : i32
    %dma_start3A_317 = tpu.memref_slice %arg12[%dma_start3A_315, %dma_start3A_316] : memref<128x128xf32, #tpu.memory_space<vmem>> -> memref<128x128xf32, #tpu.memory_space<vmem>>
    %dma_start3A_318 = arith.constant 0 : i32
    %dma_start3A_319 = tpu.memref_slice %arg4[%arg0, %add3A_252, %dma_start3A_318] : memref<2x10000x128xf32, #tpu.memory_space<hbm>> -> memref<1x128x128xf32, #tpu.memory_space<hbm>>
    %dma_start3A_320 = tpu.memref_squeeze %dma_start3A_319 : memref<1x128x128xf32, #tpu.memory_space<hbm>> -> memref<128x128xf32, #tpu.memory_space<hbm>>
    %dma_start3A_321 = arith.constant 0 : i32
    %dma_start3A_322 = tpu.memref_slice %arg4[%arg0, %add3A_252, %dma_start3A_321] : memref<2x10000x128xf32, #tpu.memory_space<hbm>> -> memref<1x128x128xf32, #tpu.memory_space<hbm>>
    %dma_start3A_323 = tpu.memref_squeeze %dma_start3A_322 : memref<1x128x128xf32, #tpu.memory_space<hbm>> -> memref<128x128xf32, #tpu.memory_space<hbm>>
    %dma_start3A_324 = arith.constant 0 : i32
    %dma_start3A_325 = arith.constant 0 : i32
    %dma_start3A_326 = tpu.memref_slice %arg12[%dma_start3A_324, %dma_start3A_325] : memref<128x128xf32, #tpu.memory_space<vmem>> -> memref<128x128xf32, #tpu.memory_space<vmem>>
    tpu.enqueue_dma source(%dma_start3A_326 : memref<128x128xf32, #tpu.memory_space<vmem>>) target(%dma_start3A_323 : memref<128x128xf32, #tpu.memory_space<hbm>>) target_semaphore(%arg14 : memref<!tpu.dma_semaphore, #tpu.memory_space<semaphore_mem>>)
    %dma_wait3A_327 = arith.constant 0 : i32
    %dma_wait3A_328 = arith.constant 0 : i32
    %dma_wait3A_329 = tpu.memref_slice %arg11[%dma_wait3A_327, %dma_wait3A_328] : memref<128x128xf32, #tpu.memory_space<vmem>> -> memref<128x128xf32, #tpu.memory_space<vmem>>
    %dma_wait3A_330 = arith.constant 0 : i32
    %dma_wait3A_331 = tpu.memref_slice %arg4[%arg0, %add3A_250, %dma_wait3A_330] : memref<2x10000x128xf32, #tpu.memory_space<hbm>> -> memref<1x128x128xf32, #tpu.memory_space<hbm>>
    %dma_wait3A_332 = tpu.memref_squeeze %dma_wait3A_331 : memref<1x128x128xf32, #tpu.memory_space<hbm>> -> memref<128x128xf32, #tpu.memory_space<hbm>>
    %dma_wait3A_333 = arith.constant 0 : i32
    %dma_wait3A_334 = tpu.memref_slice %arg4[%arg0, %add3A_250, %dma_wait3A_333] : memref<2x10000x128xf32, #tpu.memory_space<hbm>> -> memref<1x128x128xf32, #tpu.memory_space<hbm>>
    %dma_wait3A_335 = tpu.memref_squeeze %dma_wait3A_334 : memref<1x128x128xf32, #tpu.memory_space<hbm>> -> memref<128x128xf32, #tpu.memory_space<hbm>>
    %dma_wait3A_336 = arith.constant 0 : i32
    %dma_wait3A_337 = arith.constant 0 : i32
    %dma_wait3A_338 = tpu.memref_slice %arg11[%dma_wait3A_336, %dma_wait3A_337] : memref<128x128xf32, #tpu.memory_space<vmem>> -> memref<128x128xf32, #tpu.memory_space<vmem>>
    tpu.wait_dma2 semaphore(%arg13 : memref<!tpu.dma_semaphore, #tpu.memory_space<semaphore_mem>>) src(%dma_wait3A_338 : memref<128x128xf32, #tpu.memory_space<vmem>>) dst(%dma_wait3A_335 : memref<128x128xf32, #tpu.memory_space<hbm>>)
    "tpu.region"() ({
      %run_scoped3A = tpu.sem_alloc : memref<!tpu.dma_semaphore, #tpu.memory_space<semaphore_mem>>
      %dma_start3A_380 = arith.constant 0 : i32
      %dma_start3A_381 = arith.constant 0 : i32
      %dma_start3A_382 = tpu.memref_slice %arg11[%dma_start3A_380, %dma_start3A_381] : memref<128x128xf32, #tpu.memory_space<vmem>> -> memref<112x128xf32, #tpu.memory_space<vmem>>
      %dma_start3A_383 = arith.constant 0 : i32
      %dma_start3A_384 = tpu.memref_slice %arg5[%add3A_254, %dma_start3A_383] : memref<10128x128xf32, #tpu.memory_space<vmem_shared>> -> memref<112x128xf32, #tpu.memory_space<vmem_shared>>
      %dma_start3A_385 = arith.constant 0 : i32
      %dma_start3A_386 = arith.constant 0 : i32
      %dma_start3A_387 = tpu.memref_slice %arg11[%dma_start3A_385, %dma_start3A_386] : memref<128x128xf32, #tpu.memory_space<vmem>> -> memref<112x128xf32, #tpu.memory_space<vmem>>
      %dma_start3A_388 = arith.constant 0 : i32
      %dma_start3A_389 = tpu.memref_slice %arg5[%add3A_254, %dma_start3A_388] : memref<10128x128xf32, #tpu.memory_space<vmem_shared>> -> memref<112x128xf32, #tpu.memory_space<vmem_shared>>
      tpu.enqueue_dma source(%dma_start3A_389 : memref<112x128xf32, #tpu.memory_space<vmem_shared>>) target(%dma_start3A_387 : memref<112x128xf32, #tpu.memory_space<vmem>>) target_semaphore(%run_scoped3A : memref<!tpu.dma_semaphore, #tpu.memory_space<semaphore_mem>>)
      %dma_wait3A_390 = arith.constant 0 : i32
      %dma_wait3A_391 = arith.constant 0 : i32
      %dma_wait3A_392 = tpu.memref_slice %arg11[%dma_wait3A_390, %dma_wait3A_391] : memref<128x128xf32, #tpu.memory_space<vmem>> -> memref<112x128xf32, #tpu.memory_space<vmem>>
      %dma_wait3A_393 = arith.constant 0 : i32
      %dma_wait3A_394 = tpu.memref_slice %arg5[%add3A_254, %dma_wait3A_393] : memref<10128x128xf32, #tpu.memory_space<vmem_shared>> -> memref<112x128xf32, #tpu.memory_space<vmem_shared>>
      %dma_wait3A_395 = arith.constant 0 : i32
      %dma_wait3A_396 = arith.constant 0 : i32
      %dma_wait3A_397 = tpu.memref_slice %arg11[%dma_wait3A_395, %dma_wait3A_396] : memref<128x128xf32, #tpu.memory_space<vmem>> -> memref<112x128xf32, #tpu.memory_space<vmem>>
      %dma_wait3A_398 = arith.constant 0 : i32
      %dma_wait3A_399 = tpu.memref_slice %arg5[%add3A_254, %dma_wait3A_398] : memref<10128x128xf32, #tpu.memory_space<vmem_shared>> -> memref<112x128xf32, #tpu.memory_space<vmem_shared>>
      tpu.wait_dma2 semaphore(%run_scoped3A : memref<!tpu.dma_semaphore, #tpu.memory_space<semaphore_mem>>) src(%dma_wait3A_399 : memref<112x128xf32, #tpu.memory_space<vmem_shared>>) dst(%dma_wait3A_397 : memref<112x128xf32, #tpu.memory_space<vmem>>)
      tpu.yield
    }) : () -> ()
    %dma_start3A_339 = arith.constant 0 : i32
    %dma_start3A_340 = arith.constant 0 : i32
    %dma_start3A_341 = tpu.memref_slice %arg11[%dma_start3A_339, %dma_start3A_340] : memref<128x128xf32, #tpu.memory_space<vmem>> -> memref<112x128xf32, #tpu.memory_space<vmem>>
    %dma_start3A_342 = arith.constant 0 : i32
    %dma_start3A_343 = tpu.memref_slice %arg4[%arg0, %add3A_254, %dma_start3A_342] : memref<2x10000x128xf32, #tpu.memory_space<hbm>> -> memref<1x112x128xf32, #tpu.memory_space<hbm>>
    %dma_start3A_344 = tpu.memref_squeeze %dma_start3A_343 : memref<1x112x128xf32, #tpu.memory_space<hbm>> -> memref<112x128xf32, #tpu.memory_space<hbm>>
    %dma_start3A_345 = arith.constant 0 : i32
    %dma_start3A_346 = tpu.memref_slice %arg4[%arg0, %add3A_254, %dma_start3A_345] : memref<2x10000x128xf32, #tpu.memory_space<hbm>> -> memref<1x112x128xf32, #tpu.memory_space<hbm>>
    %dma_start3A_347 = tpu.memref_squeeze %dma_start3A_346 : memref<1x112x128xf32, #tpu.memory_space<hbm>> -> memref<112x128xf32, #tpu.memory_space<hbm>>
    %dma_start3A_348 = arith.constant 0 : i32
    %dma_start3A_349 = arith.constant 0 : i32
    %dma_start3A_350 = tpu.memref_slice %arg11[%dma_start3A_348, %dma_start3A_349] : memref<128x128xf32, #tpu.memory_space<vmem>> -> memref<112x128xf32, #tpu.memory_space<vmem>>
    tpu.enqueue_dma source(%dma_start3A_350 : memref<112x128xf32, #tpu.memory_space<vmem>>) target(%dma_start3A_347 : memref<112x128xf32, #tpu.memory_space<hbm>>) target_semaphore(%arg13 : memref<!tpu.dma_semaphore, #tpu.memory_space<semaphore_mem>>)
    %dma_wait3A_351 = arith.constant 0 : i32
    %dma_wait3A_352 = arith.constant 0 : i32
    %dma_wait3A_353 = tpu.memref_slice %arg11[%dma_wait3A_351, %dma_wait3A_352] : memref<128x128xf32, #tpu.memory_space<vmem>> -> memref<112x128xf32, #tpu.memory_space<vmem>>
    %dma_wait3A_354 = arith.constant 0 : i32
    %dma_wait3A_355 = tpu.memref_slice %arg4[%arg0, %add3A_254, %dma_wait3A_354] : memref<2x10000x128xf32, #tpu.memory_space<hbm>> -> memref<1x112x128xf32, #tpu.memory_space<hbm>>
    %dma_wait3A_356 = tpu.memref_squeeze %dma_wait3A_355 : memref<1x112x128xf32, #tpu.memory_space<hbm>> -> memref<112x128xf32, #tpu.memory_space<hbm>>
    %dma_wait3A_357 = arith.constant 0 : i32
    %dma_wait3A_358 = tpu.memref_slice %arg4[%arg0, %add3A_254, %dma_wait3A_357] : memref<2x10000x128xf32, #tpu.memory_space<hbm>> -> memref<1x112x128xf32, #tpu.memory_space<hbm>>
    %dma_wait3A_359 = tpu.memref_squeeze %dma_wait3A_358 : memref<1x112x128xf32, #tpu.memory_space<hbm>> -> memref<112x128xf32, #tpu.memory_space<hbm>>
    %dma_wait3A_360 = arith.constant 0 : i32
    %dma_wait3A_361 = arith.constant 0 : i32
    %dma_wait3A_362 = tpu.memref_slice %arg11[%dma_wait3A_360, %dma_wait3A_361] : memref<128x128xf32, #tpu.memory_space<vmem>> -> memref<112x128xf32, #tpu.memory_space<vmem>>
    tpu.wait_dma2 semaphore(%arg13 : memref<!tpu.dma_semaphore, #tpu.memory_space<semaphore_mem>>) src(%dma_wait3A_362 : memref<112x128xf32, #tpu.memory_space<vmem>>) dst(%dma_wait3A_359 : memref<112x128xf32, #tpu.memory_space<hbm>>)
    %dma_wait3A_363 = arith.constant 0 : i32
    %dma_wait3A_364 = arith.constant 0 : i32
    %dma_wait3A_365 = tpu.memref_slice %arg12[%dma_wait3A_363, %dma_wait3A_364] : memref<128x128xf32, #tpu.memory_space<vmem>> -> memref<128x128xf32, #tpu.memory_space<vmem>>
    %dma_wait3A_366 = arith.constant 0 : i32
    %dma_wait3A_367 = tpu.memref_slice %arg4[%arg0, %add3A_252, %dma_wait3A_366] : memref<2x10000x128xf32, #tpu.memory_space<hbm>> -> memref<1x128x128xf32, #tpu.memory_space<hbm>>
    %dma_wait3A_368 = tpu.memref_squeeze %dma_wait3A_367 : memref<1x128x128xf32, #tpu.memory_space<hbm>> -> memref<128x128xf32, #tpu.memory_space<hbm>>
    %dma_wait3A_369 = arith.constant 0 : i32
    %dma_wait3A_370 = tpu.memref_slice %arg4[%arg0, %add3A_252, %dma_wait3A_369] : memref<2x10000x128xf32, #tpu.memory_space<hbm>> -> memref<1x128x128xf32, #tpu.memory_space<hbm>>
    %dma_wait3A_371 = tpu.memref_squeeze %dma_wait3A_370 : memref<1x128x128xf32, #tpu.memory_space<hbm>> -> memref<128x128xf32, #tpu.memory_space<hbm>>
    %dma_wait3A_372 = arith.constant 0 : i32
    %dma_wait3A_373 = arith.constant 0 : i32
    %dma_wait3A_374 = tpu.memref_slice %arg12[%dma_wait3A_372, %dma_wait3A_373] : memref<128x128xf32, #tpu.memory_space<vmem>> -> memref<128x128xf32, #tpu.memory_space<vmem>>
    tpu.wait_dma2 semaphore(%arg14 : memref<!tpu.dma_semaphore, #tpu.memory_space<semaphore_mem>>) src(%dma_wait3A_374 : memref<128x128xf32, #tpu.memory_space<vmem>>) dst(%dma_wait3A_371 : memref<128x128xf32, #tpu.memory_space<hbm>>)
    %eq3A_375 = arith.constant 15 : i32
    %eq3A_376 = arith.cmpi eq, %arg1, %eq3A_375 : i32
    %convert_element_type3A_377 = arith.extui %eq3A_376 : i1 to i32
    %cond3A_378 = arith.constant 0 : i32
    %cond3A_379 = arith.cmpi ne, %convert_element_type3A_377, %cond3A_378 : i32
    scf.if %cond3A_379 {
      "tpu.region"() ({
        %run_scoped3A = tpu.sem_alloc : memref<!tpu.dma_semaphore, #tpu.memory_space<semaphore_mem>>
        %dma_start3A_380 = arith.constant 0 : i32
        %dma_start3A_381 = arith.constant 0 : i32
        %dma_start3A_382 = tpu.memref_slice %arg11[%dma_start3A_380, %dma_start3A_381] : memref<128x128xf32, #tpu.memory_space<vmem>> -> memref<16x128xf32, #tpu.memory_space<vmem>>
        %dma_start3A_383 = arith.constant 9984 : i32
        %dma_start3A_384 = arith.constant 0 : i32
        %dma_start3A_385 = tpu.memref_slice %arg5[%dma_start3A_383, %dma_start3A_384] : memref<10128x128xf32, #tpu.memory_space<vmem_shared>> -> memref<16x128xf32, #tpu.memory_space<vmem_shared>>
        %dma_start3A_386 = arith.constant 0 : i32
        %dma_start3A_387 = arith.constant 0 : i32
        %dma_start3A_388 = tpu.memref_slice %arg11[%dma_start3A_386, %dma_start3A_387] : memref<128x128xf32, #tpu.memory_space<vmem>> -> memref<16x128xf32, #tpu.memory_space<vmem>>
        %dma_start3A_389 = arith.constant 9984 : i32
        %dma_start3A_390 = arith.constant 0 : i32
        %dma_start3A_391 = tpu.memref_slice %arg5[%dma_start3A_389, %dma_start3A_390] : memref<10128x128xf32, #tpu.memory_space<vmem_shared>> -> memref<16x128xf32, #tpu.memory_space<vmem_shared>>
        tpu.enqueue_dma source(%dma_start3A_391 : memref<16x128xf32, #tpu.memory_space<vmem_shared>>) target(%dma_start3A_388 : memref<16x128xf32, #tpu.memory_space<vmem>>) target_semaphore(%run_scoped3A : memref<!tpu.dma_semaphore, #tpu.memory_space<semaphore_mem>>)
        %dma_wait3A_392 = arith.constant 0 : i32
        %dma_wait3A_393 = arith.constant 0 : i32
        %dma_wait3A_394 = tpu.memref_slice %arg11[%dma_wait3A_392, %dma_wait3A_393] : memref<128x128xf32, #tpu.memory_space<vmem>> -> memref<16x128xf32, #tpu.memory_space<vmem>>
        %dma_wait3A_395 = arith.constant 9984 : i32
        %dma_wait3A_396 = arith.constant 0 : i32
        %dma_wait3A_397 = tpu.memref_slice %arg5[%dma_wait3A_395, %dma_wait3A_396] : memref<10128x128xf32, #tpu.memory_space<vmem_shared>> -> memref<16x128xf32, #tpu.memory_space<vmem_shared>>
        %dma_wait3A_398 = arith.constant 0 : i32
        %dma_wait3A_399 = arith.constant 0 : i32
        %dma_wait3A_400 = tpu.memref_slice %arg11[%dma_wait3A_398, %dma_wait3A_399] : memref<128x128xf32, #tpu.memory_space<vmem>> -> memref<16x128xf32, #tpu.memory_space<vmem>>
        %dma_wait3A_401 = arith.constant 9984 : i32
        %dma_wait3A_402 = arith.constant 0 : i32
        %dma_wait3A_403 = tpu.memref_slice %arg5[%dma_wait3A_401, %dma_wait3A_402] : memref<10128x128xf32, #tpu.memory_space<vmem_shared>> -> memref<16x128xf32, #tpu.memory_space<vmem_shared>>
        tpu.wait_dma2 semaphore(%run_scoped3A : memref<!tpu.dma_semaphore, #tpu.memory_space<semaphore_mem>>) src(%dma_wait3A_403 : memref<16x128xf32, #tpu.memory_space<vmem_shared>>) dst(%dma_wait3A_400 : memref<16x128xf32, #tpu.memory_space<vmem>>)
        tpu.yield
      }) : () -> ()
      "tpu.region"() ({
        %run_scoped3A = tpu.sem_alloc : memref<!tpu.dma_semaphore, #tpu.memory_space<semaphore_mem>>
        %dma_start3A_380 = arith.constant 0 : i32
        %dma_start3A_381 = arith.constant 0 : i32
        %dma_start3A_382 = tpu.memref_slice %arg11[%dma_start3A_380, %dma_start3A_381] : memref<128x128xf32, #tpu.memory_space<vmem>> -> memref<16x128xf32, #tpu.memory_space<vmem>>
        %dma_start3A_383 = arith.constant 9984 : i32
        %dma_start3A_384 = arith.constant 0 : i32
        %dma_start3A_385 = tpu.memref_slice %arg4[%arg0, %dma_start3A_383, %dma_start3A_384] : memref<2x10000x128xf32, #tpu.memory_space<hbm>> -> memref<1x16x128xf32, #tpu.memory_space<hbm>>
        %dma_start3A_386 = tpu.memref_squeeze %dma_start3A_385 : memref<1x16x128xf32, #tpu.memory_space<hbm>> -> memref<16x128xf32, #tpu.memory_space<hbm>>
        %dma_start3A_387 = arith.constant 9984 : i32
        %dma_start3A_388 = arith.constant 0 : i32
        %dma_start3A_389 = tpu.memref_slice %arg4[%arg0, %dma_start3A_387, %dma_start3A_388] : memref<2x10000x128xf32, #tpu.memory_space<hbm>> -> memref<1x16x128xf32, #tpu.memory_space<hbm>>
        %dma_start3A_390 = tpu.memref_squeeze %dma_start3A_389 : memref<1x16x128xf32, #tpu.memory_space<hbm>> -> memref<16x128xf32, #tpu.memory_space<hbm>>
        %dma_start3A_391 = arith.constant 0 : i32
        %dma_start3A_392 = arith.constant 0 : i32
        %dma_start3A_393 = tpu.memref_slice %arg11[%dma_start3A_391, %dma_start3A_392] : memref<128x128xf32, #tpu.memory_space<vmem>> -> memref<16x128xf32, #tpu.memory_space<vmem>>
        tpu.enqueue_dma source(%dma_start3A_393 : memref<16x128xf32, #tpu.memory_space<vmem>>) target(%dma_start3A_390 : memref<16x128xf32, #tpu.memory_space<hbm>>) target_semaphore(%run_scoped3A : memref<!tpu.dma_semaphore, #tpu.memory_space<semaphore_mem>>)
        %dma_wait3A_394 = arith.constant 0 : i32
        %dma_wait3A_395 = arith.constant 0 : i32
        %dma_wait3A_396 = tpu.memref_slice %arg11[%dma_wait3A_394, %dma_wait3A_395] : memref<128x128xf32, #tpu.memory_space<vmem>> -> memref<16x128xf32, #tpu.memory_space<vmem>>
        %dma_wait3A_397 = arith.constant 9984 : i32
        %dma_wait3A_398 = arith.constant 0 : i32
        %dma_wait3A_399 = tpu.memref_slice %arg4[%arg0, %dma_wait3A_397, %dma_wait3A_398] : memref<2x10000x128xf32, #tpu.memory_space<hbm>> -> memref<1x16x128xf32, #tpu.memory_space<hbm>>
        %dma_wait3A_400 = tpu.memref_squeeze %dma_wait3A_399 : memref<1x16x128xf32, #tpu.memory_space<hbm>> -> memref<16x128xf32, #tpu.memory_space<hbm>>
        %dma_wait3A_401 = arith.constant 9984 : i32
        %dma_wait3A_402 = arith.constant 0 : i32
        %dma_wait3A_403 = tpu.memref_slice %arg4[%arg0, %dma_wait3A_401, %dma_wait3A_402] : memref<2x10000x128xf32, #tpu.memory_space<hbm>> -> memref<1x16x128xf32, #tpu.memory_space<hbm>>
        %dma_wait3A_404 = tpu.memref_squeeze %dma_wait3A_403 : memref<1x16x128xf32, #tpu.memory_space<hbm>> -> memref<16x128xf32, #tpu.memory_space<hbm>>
        %dma_wait3A_405 = arith.constant 0 : i32
        %dma_wait3A_406 = arith.constant 0 : i32
        %dma_wait3A_407 = tpu.memref_slice %arg11[%dma_wait3A_405, %dma_wait3A_406] : memref<128x128xf32, #tpu.memory_space<vmem>> -> memref<16x128xf32, #tpu.memory_space<vmem>>
        tpu.wait_dma2 semaphore(%run_scoped3A : memref<!tpu.dma_semaphore, #tpu.memory_space<semaphore_mem>>) src(%dma_wait3A_407 : memref<16x128xf32, #tpu.memory_space<vmem>>) dst(%dma_wait3A_404 : memref<16x128xf32, #tpu.memory_space<hbm>>)
        tpu.yield
      }) : () -> ()
    } else {
    }
    return
  }
}

module attributes {stable_mosaic.version = 14 : i64} {
  func.func @body(%arg0: i32, %arg1: memref<1000x128xf32, #tpu.memory_space<vmem>>, %arg2: memref<1000x128xf32, #tpu.memory_space<vmem>>, %arg3: memref<1000x128xf32, #tpu.memory_space<vmem>>, %arg4: memref<1000x128xf32, #tpu.memory_space<vmem>>) attributes {dimension_semantics = [#tpu.dimension_semantics<arbitrary>], iteration_bounds = array<i64: 10>, scalar_prefetch = 0 : i64, scratch_operands = 0 : i64, tpu.core_type = #tpu.core_type<tc>, window_params = [{transform_indices = @transform_0, window_bounds = array<i64: 1000, 128>}, {transform_indices = @transform_1, window_bounds = array<i64: 1000, 128>}, {transform_indices = @transform_2, window_bounds = array<i64: 1000, 128>}, {transform_indices = @transform_3, window_bounds = array<i64: 1000, 128>}]} {
    %get3A = arith.constant 0 : index
    %get3A_0 = arith.constant 0 : index
    %get3A_1 = vector.load %arg1[%get3A, %get3A_0] : memref<1000x128xf32, #tpu.memory_space<vmem>>, vector<1000x128xf32>
    %get3A_2 = arith.constant 0 : index
    %get3A_3 = arith.constant 0 : index
    %get3A_4 = vector.load %arg2[%get3A_2, %get3A_3] : memref<1000x128xf32, #tpu.memory_space<vmem>>, vector<1000x128xf32>
    %add3A = arith.addf %get3A_1, %get3A_4 : vector<1000x128xf32>
    %mul3A = arith.constant 0.899999976 : f32
    %mul3A_5 = vector.broadcast %mul3A : f32 to vector<1000x128xf32>
    %mul3A_6 = arith.mulf %mul3A_5, %add3A : vector<1000x128xf32>
    %get3A_7 = arith.constant 0 : index
    %get3A_8 = arith.constant 0 : index
    %get3A_9 = vector.load %arg3[%get3A_7, %get3A_8] : memref<1000x128xf32, #tpu.memory_space<vmem>>, vector<1000x128xf32>
    %mul3A_10 = arith.constant 1.000000e-01 : f32
    %mul3A_11 = vector.broadcast %mul3A_10 : f32 to vector<1000x128xf32>
    %mul3A_12 = arith.mulf %mul3A_11, %get3A_9 : vector<1000x128xf32>
    %add3A_13 = arith.addf %mul3A_6, %mul3A_12 : vector<1000x128xf32>
    %swap3A = arith.constant 0 : index
    %swap3A_14 = arith.constant 0 : index
    %swap3A_15 = vector.load %arg4[%swap3A, %swap3A_14] : memref<1000x128xf32, #tpu.memory_space<vmem>>, vector<1000x128xf32>
    tpu.vector_store %arg4[%swap3A, %swap3A_14], %add3A_13 {strides = array<i32>} : memref<1000x128xf32, #tpu.memory_space<vmem>>, vector<1000x128xf32>,
    return
  }
  func.func @transform_0(%arg0: i32) -> (i32, i32) {
    %c0_i32 = arith.constant 0 : i32
    %c0_i32_0 = arith.constant 0 : i32
    return %arg0, %c0_i32 : i32, i32
  }
  func.func @transform_1(%arg0: i32) -> (i32, i32) {
    %c0_i32 = arith.constant 0 : i32
    %c0_i32_0 = arith.constant 0 : i32
    return %arg0, %c0_i32 : i32, i32
  }
  func.func @transform_2(%arg0: i32) -> (i32, i32) {
    %c0_i32 = arith.constant 0 : i32
    %c0_i32_0 = arith.constant 0 : i32
    return %arg0, %c0_i32 : i32, i32
  }
  func.func @transform_3(%arg0: i32) -> (i32, i32) {
    %c0_i32 = arith.constant 0 : i32
    %c0_i32_0 = arith.constant 0 : i32
    return %arg0, %c0_i32 : i32, i32
  }
}

</mosaic_0001>

<sc_bundles>
// kernel: kernel.4.cloned.1.call-start
scs
__scs_entry_jumppad:
0x0: {  	(pc) =	sbr.rel $0x88, $3  }
0x1: {  	(tag) =	ssettag $0x0;
	lr =	simm.s32 $0x1  }
0x2: {  	[smem:$0x3F9E] =	sst lr;
	_ =	strace $0xD0000000  }
0x3: {  	_ = 	snop  }
0x4: {  	_ = 	snop  }
0x5: {  	_ = 	snop  }
0x6: {  	_ = 	snop  }
0x7: {  	_ = 	snop  }
__scs_overlays_trampoline_lowered:
0x8: {  	[smem:$0x3FAD] =	sst s0  }
0x9: {  	[smem:$0x3FAE] =	sst s1  }
0xa: {  	[smem:$0x3FAF] =	sst s2  }
0xb: {  	[smem:$0x3FB0] =	sst s3  }
0xc: {  	[smem:$0x3FB1] =	sst s4  }
0xd: {  	[smem:$0x3FB2] =	sst s5  }
0xe: {  	[smem:$0x3FB3] =	sst s6  }
0xf: {  	[smem:$0x3FB4] =	sst s7  }
0x10: {  	[smem:$0x3FB5] =	sst s8  }
0x11: {  	[smem:$0x3FB6] =	sst s9;
	s0 =	simm.s32 @!p0 $0x0  }
0x12: {  	s1 =	sld [smem:$0x3F9C];
	s0 =	simm.s32 @p0 $0x1  }
0x13: {  	[smem:$0x3FB7] =	sst s0;
	s0 =	simm.s32 @!p1 $0x0  }
0x14: {  	s2 =	sld [smem:$0x3F9B];
	s0 =	simm.s32 @p1 $0x1  }
0x15: {  	[smem:$0x3FB8] =	sst s0;
	s0 =	simm.s32 @!p2 $0x0  }
0x16: {  	s3 =	sld [smem:$0x3FDB];
	s0 =	simm.s32 @p2 $0x1  }
0x17: {  	s4 =	simm.s32 $0x1BF5;
	[smem:$0x3FBA] =	sst s0  }
0x18: {  	s0 =	sld [smem:$0x3F9D];
	_ =	swait.ge [sflag:s4], $0x0  }
0x19: {  	s7 =	sld [smem:$0x3F9E]  }
0x1a: {  	s8 =	sadd.s32 $0xFFFFE003, lr  }
0x1b: {  	s9 =	sadd.s32 $0xFFFFFEF7, lr;
	s5 =	simm.s32 $0xFFFFFFFF;
	p2 =	slt.u32 s8, $0xFFFFF086  }
0x1c: {  	p1 =	slt.u32 s9, $0xF7A;
	s5 =	simm.s32 @!p2 $0x0  }
0x1d: {  	s5 =	simm.s32 @p1 $0x1;
	p0 =	seq.s32 s7, s2  }
0x1e: {  	s7 =	smul.u32 @!p0 $0xF7A, s2;
	p2 =	seq.s32 @!p0 s5, $0x0  }
0x1f: {  	s9 =	smul.u32 $0xF7A, s1;
	s8 =	simm.s32 @!p0 $0x1BF5;
	p2 =	por !p2, p0  }
0x20: {  	[sflag:s8] =	ssyncset.s32 @!p0 $0xFFFFF086;
	s6 =	sadd.s32 @!p0 s3, s7;
	s7 =	simm.s32 @!p0 $0x108  }
0x21: {  	s3 =	sadd.s32 s3, s9;
	s6 =	sadd.s32 @!p0 $0x88, s6;
	s7 =	simm.s32 @p2 $0x1082  }
0x22: {  	[simem:s7], [sflag:s8] =	dma.local @!p0 [hbm:s6], $0xF7A  }
0x23: {  	s9 =	sor.u32 $0xD0000000, s2;
	s6 =	simm.s32 $0x108;
	_ =	swait.ge @!p0 [sflag:s8], $0x0  }
0x24: {  	s3 =	sadd.s32 $0x88, s3;
	s6 =	simm.s32 @!p1 $0x1082;
	[sflag:s4] =	ssyncset.s32 $0xFFFFF086  }
0x25: {  	[simem:s6], [sflag:s4] =	dma.local [hbm:s3], $0xF7A  }
0x26: {  	[smem:$0x3F9E] =	sst s1;
	(tag) =	ssettag s2;
	_ =	strace s9  }
0x27: {  	s1 =	sld [smem:$0x3FAE]  }
0x28: {  	s2 =	sld [smem:$0x3FAF]  }
0x29: {  	s4 =	sld [smem:$0x3FB1]  }
0x2a: {  	p0 =	seq.s32 s5, $0x0;
	s5 =	sld [smem:$0x3FB2]  }
0x2b: {  	s6 =	sld [smem:$0x3FB3]  }
0x2c: {  	s7 =	sld [smem:$0x3FB4]  }
0x2d: {  	s3 =	simm.s32 $0x108;
	s8 =	sld [smem:$0x3FB5]  }
0x2e: {  	s3 =	simm.s32 @!p0 $0x1082;
	s9 =	sld [smem:$0x3FB6]  }
0x2f: {  	lr =	sadd.s32 s0, s3;
	s0 =	sld [smem:$0x3FAD]  }
0x30: {  	s3 =	sld [smem:$0x3FB0]  }
0x31: {  	[smem:$0x3FB9] =	sst s10  }
0x32: {  	s10 =	sld [smem:$0x3FB7];
	_ =	sdelay $0x3  }
0x33: {  	p0 =	seq.s32 s10, $0x1;
	s10 =	sld [smem:$0x3FB9];
	_ =	sdelay $0x3  }
0x34: {  	[smem:$0x3FB9] =	sst s10  }
0x35: {  	s10 =	sld [smem:$0x3FB8];
	_ =	sdelay $0x3  }
0x36: {  	p1 =	seq.s32 s10, $0x1;
	s10 =	sld [smem:$0x3FB9];
	_ =	sdelay $0x3  }
0x37: {  	[smem:$0x3FB9] =	sst s10  }
0x38: {  	s10 =	sld [smem:$0x3FBA]  }
0x39: {  	_ = 	snop;
	(pc) =	sbr.ind lr, $3  }
0x3a: {  	_ = 	snop  }
0x3b: {  	_ = 	snop  }
0x3c: {  	p2 =	seq.s32 s10, $0x1;
	s10 =	sld [smem:$0x3FB9]  }
0x3d: {  	_ =	shalt  }
0x3e: {  	_ =	shalt  }
0x3f: {  	_ =	shalt  }
0x40: {  	_ =	shalt  }
0x41: {  	_ =	shalt  }
0x42: {  	_ =	shalt  }
0x43: {  	_ =	shalt  }
0x44: {  	_ =	shalt  }
0x45: {  	_ =	shalt  }
0x46: {  	_ =	shalt  }
0x47: {  	_ =	shalt  }
0x48: {  	_ =	shalt  }
0x49: {  	_ =	shalt  }
0x4a: {  	_ =	shalt  }
0x4b: {  	_ =	shalt  }
0x4c: {  	_ =	shalt  }
0x4d: {  	_ =	shalt  }
0x4e: {  	_ =	shalt  }
0x4f: {  	_ =	shalt  }
0x50: {  	_ =	shalt  }
0x51: {  	_ =	shalt  }
0x52: {  	_ =	shalt  }
0x53: {  	_ =	shalt  }
0x54: {  	_ =	shalt  }
0x55: {  	_ =	shalt  }
0x56: {  	_ =	shalt  }
0x57: {  	_ =	shalt  }
0x58: {  	_ =	shalt  }
0x59: {  	_ =	shalt  }
0x5a: {  	_ =	shalt  }
0x5b: {  	_ =	shalt  }
0x5c: {  	_ =	shalt  }
0x5d: {  	_ =	shalt  }
0x5e: {  	_ =	shalt  }
0x5f: {  	_ =	shalt  }
0x60: {  	_ =	shalt  }
0x61: {  	_ =	shalt  }
0x62: {  	_ =	shalt  }
0x63: {  	_ =	shalt  }
0x64: {  	_ =	shalt  }
0x65: {  	_ =	shalt  }
0x66: {  	_ =	shalt  }
0x67: {  	_ =	shalt  }
0x68: {  	_ =	shalt  }
0x69: {  	_ =	shalt  }
0x6a: {  	_ =	shalt  }
0x6b: {  	_ =	shalt  }
0x6c: {  	_ =	shalt  }
0x6d: {  	_ =	shalt  }
0x6e: {  	_ =	shalt  }
0x6f: {  	_ =	shalt  }
0x70: {  	_ =	shalt  }
0x71: {  	_ =	shalt  }
0x72: {  	_ =	shalt  }
0x73: {  	_ =	shalt  }
0x74: {  	_ =	shalt  }
0x75: {  	_ =	shalt  }
0x76: {  	_ =	shalt  }
0x77: {  	_ =	shalt  }
0x78: {  	_ =	shalt  }
0x79: {  	_ =	shalt  }
0x7a: {  	_ =	shalt  }
0x7b: {  	_ =	shalt  }
0x7c: {  	_ =	shalt  }
0x7d: {  	_ =	shalt  }
0x7e: {  	_ =	shalt  }
0x7f: {  	_ =	shalt  }
0x80: {  	_ =	shalt  }
0x81: {  	_ =	shalt  }
0x82: {  	_ =	shalt  }
0x83: {  	_ =	shalt  }
0x84: {  	_ =	shalt  }
0x85: {  	_ =	shalt  }
0x86: {  	_ =	shalt  }
0x87: {  	_ =	shalt  }
.Lfunc_end0:
.L_simem_size_0:
called_computation_lowered:
.L_overlay_start_0:
0x88: {  	s2 =	sld [smem:$0x3FD9]  }
0x89: {  	s3 =	sld [smem:$0x3FFE];
	_ =	sdelay $0x1  }
0x8a: {  	s1 =	srdreg.scid  }
0x8b: {  	s0 =	sand.u32 $0x1, s1  }
0x8c: {  	s17 =	sshll.u32 s0, $0xA;
	s2 =	sadd.s32 s3, s2  }
0x8d: {  	s2 =	sadd.s32 s2, s17  }
0x8e: {  	[smem:$0x3FC5] =	sst s2  }
0x8f: {  	_ = 	snop  }
0x90: {  	s2 =	sld [smem:$0x3FC9]  }
0x91: {  	s18 =	sld [smem:$0x3FD0];
	(tm) =	ssettm $0x1  }
0x92: {  	s4 =	sld [smem:$0x3FFB];
	_ =	sdelay $0x3  }
0x93: {  	_ =	strace s4  }
0x94: {  	s4 =	sld [smem:$0x3FFC];
	_ =	sdelay $0x3  }
0x95: {  	_ =	strace s4  }
0x96: {  	s4 =	sld [smem:$0x3FFD];
	_ =	sdelay $0x3  }
0x97: {  	_ =	strace s4  }
0x98: {  	_ =	strace $0x8FFFFFFF  }
0x99: {  	s19 =	sld [smem:$0x3FDB];
	_ =	sdelay $0x1  }
0x9a: {  	s5 =	simm.s32 $_scs_section_size  }
0x9b: {  	s6 =	simm.s32 $_size__tile_overlayer_lowered;
	s7 =	simm.s32 $_tile_overlayer_lowered  }
0x9c: {  	s22 =	simm.s32 $0x1BFF;
	s21 =	sshll.u32 s7, $0x1;
	s4 =	sadd.s32 s5, s19  }
0x9d: {  	s8 =	simm.s32 $0x0;
	s20 =	sshll.u32 s6, $0x1;
	s6 =	sadd.s32 s21, s4  }
0x9e: {  	[timem:s8], [sflag:s22] =	dma.local [hbm:s6], s20  }
0x9f: {  	_ =	swait.ge [sflag:s22], s20  }
0xa0: {  	s5 =	ssub.s32 $0x0, s20;
	[sflag:s22] =	ssyncset.done $0x0  }
0xa1: {  	[sflag:s22] =	ssyncadd.s32 s5;
	_ =	sdelay $0x1  }
0xa2: {  	s23 =	simm.s32 $0x1B8B  }
0xa3: {  	_ =	swait.ge [sflag:s23], $0x1  }
0xa4: {  	[sflag:s23] =	ssyncset.done $0x0  }
0xa5: {  	s25 =	simm.s32 $0x1B8E;
	s24 =	sld [smem:$0x3FFE];
	[sflag:s23] =	ssyncadd.s32 $0xFFFFFFFF  }
0xa6: {  	s26 =	simm.s32 $execute0_lowered;
	[smem:$0x3FD2] =	sst s25  }
0xa7: {  	s6 =	sshll.u32 s26, $0x1;
	_ =	strace $0x80000046;
	[dreg:$0x1] =	wrdreg $0xFFFFFFFF  }
0xa8: {  	s28 =	simm.s32 $_size_execute0_lowered;
	s4 =	sadd.s32 s4, s6;
	[dreg:$0x0] =	wrdreg $0x0  }
0xa9: {  	s6 =	sshll.u32 s28, $0x1;
	[dreg:$0x2] =	wrdreg s4  }
0xaa: {  	[dreg:$0x3] =	wrdreg s6  }
0xab: {  	[dreg:$0x4] =	wrdreg $0xC0  }
0xac: {  	_ =	task [dreg:s8], $0x5FFFF  }
0xad: {  	[dreg:$0x1] =	wrdreg $0xFFFFFFFF  }
0xae: {  	[dreg:$0x0] =	wrdreg $0x60  }
0xaf: {  	[dreg:$0x2] =	wrdreg s2  }
0xb0: {  	[dreg:$0x3] =	wrdreg s18  }
0xb1: {  	[dreg:$0x4] =	wrdreg s24  }
0xb2: {  	[dreg:$0x5] =	wrdreg $0x0  }
0xb3: {  	[dreg:$0x6] =	wrdreg $0x9  }
0xb4: {  	_ =	task.clear_ibuf [dreg:s8], $0x7FFFF;
	_ =	strace $0x90000046  }
0xb5: {  	s29 =	simm.s32 $0x9;
	_ =	strace $0x80000048  }
0xb6: {  	_ =	swait.ge [sflag:s29], $0x1  }
0xb7: {  	[sflag:s29] =	ssyncadd.s32 $0xFFFFFFFF  }
0xb8: {  	_ =	strace $0x90000048  }
0xb9: {  	_ =	sfence  }
0xba: {  	s30 =	sld [smem:$0x0];
	_ =	sdelay $0x2  }
0xbb: {  	s31 =	sshll.u32 s1, $0xD;
	s1 =	sshrl.u32 s1, $0x2  }
0xbc: {  	s3 =	sand.u32 $0x4000, s31;
	s1 =	sadd.s32 s1, s30  }
0xbd: {  	s0 =	sor.u32 s3, s0;
	s1 =	sshll.u32 s1, $0x11  }
0xbe: {  	s0 =	sor.u32 s1, s0  }
0xbf: {  	s0 =	sadd.s32 $0x8F2B, s0  }
0xc0: {  	[sflag:s0] =	ssyncadd.remote.s32 $0x1  }
0xc1: {  	_ =	sfence.sel $0xFFFF  }
0xc2: {  	[dreg:$0x0] =	wrdreg $0xFFFFFFFF;
	(pc) =	sbr.abs _section_cstart, $3  }
0xc3: {  	[dreg:$0x1] =	wrdreg $0xFFFFFFFF  }
0xc4: {  	_ =	task.clear_ibuf [dreg:s8], $0x2FFFF;
	_ =	strace $0x9FFFFFFF  }
0xc5: {  	(tm) =	ssettm $0x7FFFFFFF  }
tec
execute0_lowered:
.L_overlay_start_1:
0x0: {  	(tag) =	ssettag $0x1  }
0x1: {  	s1 =	rddreg [dreg:$0x0]  }
0x2: {  	s0 =	rddreg [dreg:$0x1]  }
0x3: {  	s2 =	srdreg.scid;
	s5 =	rddreg [dreg:$0x2]  }
0x4: {  	s20 =	stileid.u32;
	s3 =	rddreg [dreg:$0x3]  }
0x5: {  	s21 =	simm.s32 $0x16680;
	s28 =	simm.s32 $0x1A680;
	s29 =	simm.s32 $0x16580  }
0x6: {  	s30 =	simm.s32 $0x3;
	s31 =	simm.s32 $0x16600;
	s8 =	smul.u32 $0x4E000, s20  }
0x7: {  	s2 =	sand.u32 $0x1, s2;
	s4 =	sshll.u32 s20, $0x1;
	s12 =	smul.u32 $0x13800, s20  }
0x8: {  	s5 =	sadd.s32 $0x600, s5;
	s11 =	sadd.s32 $0x138000, s3;
	s17 =	sadd.s32 $0x13C000, s3  }
0x9: {  	s6 =	sor.u32 s2, s4;
	s7 =	ssub.s32 $0x2, s2;
	s2 =	smul.u32 $0x138800, s2  }
0xa: {  	p0 =	sne.s32 s20, $0xF;
	s4 =	simm.s32 $0x0;
	s6 =	smul.u32 $0x500, s6  }
0xb: {  	[smem:$0x7FF] =	sst s4;
	s9 =	sshrl.u32 s7, $0x1;
	s22 =	sshrl.u32 s8, $0x2  }
0xc: {  	s14 =	sadd.s32 $0x4000, s12;
	s15 =	sadd.s32 $0x8000, s12;
	s23 =	sadd.s32 $0xC000, s12  }
0xd: {  	s16 =	sadd.s32 $0x10000, s12;
	_ =	strace $0x80000047;
	s13 =	ssub.s32 s7, s9  }
0xe: {  	s7 =	sadd.s32 s14, s3;
	s8 =	sadd.s32 s15, s3;
	s9 =	sadd.s32 s23, s3  }
0xf: {  	s10 =	sadd.s32 s16, s3;
	[dreg:$0x6] =	wrdreg s17;
	s12 =	sadd.s32 s12, s2  }
0x10: {  	s14 =	sadd.s32 s2, s14;
	s15 =	sadd.s32 s2, s15;
	s25 =	sadd.s32 s2, s16  }
0x11: {  	s0 =	sadd.s32 s0, s6;
	s6 =	sadd.s32 s22, s3;
	s12 =	sshrl.u32 s12, $0x3  }
0x12: {  	s14 =	sshrl.u32 s14, $0x3;
	s24 =	sshrl.u32 s15, $0x3;
	s19 =	smax.u32 s13, $0x1  }
0x13: {  	s22 =	simm.s32 $0x1;
	[dreg:$0x5] =	wrdreg s0;
	s12 =	sadd.s32 s5, s12  }
0x14: {  	s14 =	sadd.s32 s5, s14;
	s15 =	sadd.s32 s5, s24;
	s0 =	sadd.s32 s2, s23  }
0x15: {  	s2 =	sshrl.u32 s2, $0x3;
	s23 =	simm.s32 $0x2;
	s24 =	simm.s32 $0x80  }
0x16: {  	[dreg:$0x7] =	wrdreg s12;
	s0 =	sshrl.u32 s0, $0x3;
	s12 =	sshrl.u32 s25, $0x3  }
0x17: {  	s26 =	sadd.s32 s5, s2;
	s2 =	simm.s32 $0x0;
	s16 =	sadd.s32 s5, s0  }
0x18: {  	v0 =	vimm.f32 $0.0e+00;
	s17 =	sadd.s32 s5, s12;
	s18 =	sadd.s32 $0x27000, s26;
	s26 =	simm.s32 $0x16500  }
.LBB2_1:
0x19: {  	s0 =	rddreg [dreg:$0x5];
	s5 =	simm.s32 $0x13C80  }
0x1a: {  	[tilespmem:s5], [sflag:$0x2] =	stream.linear.gather [hbm4b:s0+s4], $0x2800, $0x38;
	[tilespmem:$0x1E680] =	vst v63  }
0x1b: {  	s0 =	simm.s32 $0x0;
	s5 =	simm.s32 $0x200  }
.LBB2_2:
0x1c: {  	p1 =	sne.s32 s5, $0xFE00;
	[tilespmem:s0+$0x166F0] =	vst v0  }
0x1d: {  	[tilespmem:s0+$0x16680] =	vst v0  }
0x1e: {  	[tilespmem:s0+$0x16690] =	vst v0  }
.Ltmp0:
0x1f: {  	[tilespmem:s0+$0x166A0] =	vst v0;
	(pc) =	sbr.rel @p1 .LBB2_2-.Ltmp0, $4  }
0x20: {  	[tilespmem:s0+$0x166B0] =	vst v0  }
0x21: {  	[tilespmem:s0+$0x166C0] =	vst v0  }
0x22: {  	[tilespmem:s0+$0x166D0] =	vst v0  }
0x23: {  	[tilespmem:s0+$0x166E0] =	vst v0;
	s0 =	sshra.s32 s5, $0x2;
	s5 =	sadd.s32 $0x200, s5  }
0x24: {  	[tilespmem:s0+$0x166F0] =	vst v0  }
0x25: {  	[tilespmem:s0+$0x16680] =	vst v0  }
0x26: {  	[tilespmem:s0+$0x16690] =	vst v0  }
0x27: {  	[tilespmem:s0+$0x166A0] =	vst v0  }
0x28: {  	[tilespmem:s0+$0x166B0] =	vst v0  }
0x29: {  	[tilespmem:s0+$0x166C0] =	vst v0  }
0x2a: {  	[tilespmem:s0+$0x166D0] =	vst v0  }
0x2b: {  	[tilespmem:s0+$0x166E0] =	vst v0  }
0x2c: {  	[spmem:s6] =	stream.linear.scatter [tilespmem:s21], [sflag:$0x1], $0x4000, $0x38;
	[tilespmem:$0x1E680] =	vst v63  }
0x2d: {  	_ = 	snop  }
0x2e: {  	[spmem:s7] =	stream.linear.scatter [tilespmem:s21], [sflag:$0x1], $0x4000, $0x38;
	[tilespmem:$0x1E680] =	vst v63  }
0x2f: {  	_ = 	snop  }
0x30: {  	[spmem:s8] =	stream.linear.scatter [tilespmem:s21], [sflag:$0x1], $0x4000, $0x38;
	[tilespmem:$0x1E680] =	vst v63  }
0x31: {  	_ = 	snop  }
0x32: {  	[spmem:s9] =	stream.linear.scatter [tilespmem:s21], [sflag:$0x1], $0x4000, $0x38;
	[tilespmem:$0x1E680] =	vst v63  }
0x33: {  	_ = 	snop  }
0x34: {  	[spmem:s10] =	stream.linear.scatter [tilespmem:s21], [sflag:$0x1], $0x3800, $0x38;
	[tilespmem:$0x1E680] =	vst v63  }
0x35: {  	s0 =	simm.s32 @!p0 $0x16680;
	s5 =	simm.s32 @!p0 $0x3  }
0x36: {  	[spmem:s11] =	stream.linear.scatter @!p0 [tilespmem:s0], [sflag:$0x3], $0x4000, $0x38;
	[tilespmem:$0x1E680] =	vst v63  }
0x37: {  	_ =	swait.ge @!p0 [sflag:s5], $0x4000  }
0x38: {  	[sflag:s5] =	ssyncset.done @!p0 $0x0  }
0x39: {  	s12 =	rddreg [dreg:$0x6];
	[sflag:s5] =	ssyncadd.s32 @!p0 $0xFFFFC000  }
0x3a: {  	[spmem:s12] =	stream.linear.scatter @!p0 [tilespmem:s0], [sflag:$0x3], $0x800, $0x38;
	[tilespmem:$0x1E680] =	vst v63  }
0x3b: {  	_ =	swait.ge @!p0 [sflag:s5], $0x800  }
0x3c: {  	[sflag:s5] =	ssyncset.done @!p0 $0x0  }
0x3d: {  	[sflag:s5] =	ssyncadd.s32 @!p0 $0xFFFFF800  }
0x3e: {  	_ =	swait.ge [sflag:s22], $0x4000  }
0x3f: {  	[sflag:s22] =	ssyncset.done $0x0  }
0x40: {  	[sflag:s22] =	ssyncadd.s32 $0xFFFFC000  }
0x41: {  	_ =	swait.ge [sflag:s22], $0x4000  }
0x42: {  	[sflag:s22] =	ssyncset.done $0x0  }
0x43: {  	[sflag:s22] =	ssyncadd.s32 $0xFFFFC000  }
0x44: {  	_ =	swait.ge [sflag:s22], $0x4000  }
0x45: {  	[sflag:s22] =	ssyncset.done $0x0  }
0x46: {  	[sflag:s22] =	ssyncadd.s32 $0xFFFFC000  }
0x47: {  	_ =	swait.ge [sflag:s22], $0x4000  }
0x48: {  	[sflag:s22] =	ssyncset.done $0x0  }
0x49: {  	[sflag:s22] =	ssyncadd.s32 $0xFFFFC000  }
0x4a: {  	_ =	swait.ge [sflag:s22], $0x3800  }
0x4b: {  	[sflag:s22] =	ssyncset.done $0x0  }
0x4c: {  	[sflag:s22] =	ssyncadd.s32 $0xFFFFC800  }
0x4d: {  	_ =	swait.ge [sflag:s23], $0x2800  }
0x4e: {  	[sflag:s23] =	ssyncset.done $0x0  }
0x4f: {  	[sflag:s23] =	ssyncadd.s32 $0xFFFFD800  }
0x50: {  	[bflag:$0x0] =	sbarrier.arrive $0xFFFF  }
0x51: {  	v1 =	vld [tilespmem:$0x13C80];
	_ =	sdelay $0x1  }
0x52: {  	v2 =	vld [tilespmem:$0x13C90];
	_ =	sdelay $0x1  }
0x53: {  	v3 =	vld [tilespmem:$0x13CA0]  }
0x54: {  	v4 =	vand.u32 $0xFFFF, v1  }
0x55: {  	v62 =	vld [tilespmem:$0x13CB0];
	v1 =	vshrl.u32 v1, $0x10;
	[tilespmem:$0x16480] =	vst v4  }
0x56: {  	[tilespmem:$0x16580] =	vst v1;
	v1 =	vand.u32 $0xFFFF, v2  }
0x57: {  	[tilespmem:$0x16490] =	vst v1;
	v1 =	vshrl.u32 v2, $0x10;
	v2 =	vld [tilespmem:$0x13CC0]  }
0x58: {  	[tilespmem:$0x16590] =	vst v1;
	v1 =	vand.u32 $0xFFFF, v3  }
0x59: {  	[tilespmem:$0x164A0] =	vst v1;
	v1 =	vshrl.u32 v3, $0x10;
	v3 =	vld [tilespmem:$0x13CD0]  }
0x5a: {  	[tilespmem:$0x165A0] =	vst v1;
	v1 =	vand.u32 $0xFFFF, v62  }
0x5b: {  	v63 =	vld [tilespmem:$0x13CE0];
	[tilespmem:$0x164B0] =	vst v1;
	v1 =	vshrl.u32 v62, $0x10  }
0x5c: {  	[tilespmem:$0x165B0] =	vst v1;
	v1 =	vand.u32 $0xFFFF, v2  }
0x5d: {  	[tilespmem:$0x164C0] =	vst v1;
	v1 =	vshrl.u32 v2, $0x10;
	v2 =	vld [tilespmem:$0x13CF0]  }
0x5e: {  	[tilespmem:$0x165C0] =	vst v1;
	v1 =	vand.u32 $0xFFFF, v3  }
0x5f: {  	[tilespmem:$0x164D0] =	vst v1;
	v1 =	vshrl.u32 v3, $0x10  }
0x60: {  	[tilespmem:$0x165D0] =	vst v1;
	v1 =	vand.u32 $0xFFFF, v63  }
0x61: {  	[tilespmem:$0x164E0] =	vst v1;
	v1 =	vshrl.u32 v63, $0x10  }
0x62: {  	[tilespmem:$0x165E0] =	vst v1;
	v1 =	vand.u32 $0xFFFF, v2  }
0x63: {  	[tilespmem:$0x164F0] =	vst v1;
	v1 =	vshrl.u32 v2, $0x10  }
0x64: {  	s20 =	simm.s32 $0x16480;
	s25 =	simm.s32 $0x0;
	[tilespmem:$0x165F0] =	vst v1  }
0x65: {  	[tilespmem:s21], [sflag:$0x1] =	stream.indirect.gather [hbm4b:s1+s24], $0x80, s20, s24, $0xb8;
	[tilespmem:$0x1E680] =	vst v63  }
0x66: {  	v1 =	vld [tilespmem:s25+$0x13D00];
	_ =	sdelay $0x4  }
0x67: {  	v2 =	vand.u32 $0xFFFF, v1  }
0x68: {  	v1 =	vshrl.u32 v1, $0x10;
	[tilespmem:$0x16500] =	vst v2  }
0x69: {  	[tilespmem:$0x16600] =	vst v1  }
0x6a: {  	v1 =	vld [tilespmem:s25+$0x13D10];
	_ =	sdelay $0x4  }
0x6b: {  	v2 =	vand.u32 $0xFFFF, v1  }
0x6c: {  	v1 =	vshrl.u32 v1, $0x10;
	[tilespmem:$0x16510] =	vst v2  }
0x6d: {  	[tilespmem:$0x16610] =	vst v1  }
0x6e: {  	v1 =	vld [tilespmem:s25+$0x13D20];
	_ =	sdelay $0x4  }
0x6f: {  	v2 =	vand.u32 $0xFFFF, v1  }
0x70: {  	v1 =	vshrl.u32 v1, $0x10;
	[tilespmem:$0x16520] =	vst v2  }
0x71: {  	[tilespmem:$0x16620] =	vst v1  }
0x72: {  	v1 =	vld [tilespmem:s25+$0x13D30];
	_ =	sdelay $0x4  }
0x73: {  	v2 =	vand.u32 $0xFFFF, v1  }
0x74: {  	v1 =	vshrl.u32 v1, $0x10;
	[tilespmem:$0x16530] =	vst v2  }
0x75: {  	[tilespmem:$0x16630] =	vst v1  }
0x76: {  	v1 =	vld [tilespmem:s25+$0x13D40];
	_ =	sdelay $0x4  }
0x77: {  	v2 =	vand.u32 $0xFFFF, v1  }
0x78: {  	v1 =	vshrl.u32 v1, $0x10;
	[tilespmem:$0x16540] =	vst v2  }
0x79: {  	[tilespmem:$0x16640] =	vst v1  }
0x7a: {  	v1 =	vld [tilespmem:s25+$0x13D50];
	_ =	sdelay $0x4  }
0x7b: {  	v2 =	vand.u32 $0xFFFF, v1  }
0x7c: {  	v1 =	vshrl.u32 v1, $0x10;
	[tilespmem:$0x16550] =	vst v2  }
0x7d: {  	[tilespmem:$0x16650] =	vst v1  }
0x7e: {  	v1 =	vld [tilespmem:s25+$0x13D60];
	_ =	sdelay $0x4  }
0x7f: {  	v2 =	vand.u32 $0xFFFF, v1  }
0x80: {  	v1 =	vshrl.u32 v1, $0x10;
	[tilespmem:$0x16560] =	vst v2  }
0x81: {  	[tilespmem:$0x16660] =	vst v1  }
0x82: {  	v1 =	vld [tilespmem:s25+$0x13D70];
	_ =	sdelay $0x4  }
0x83: {  	v2 =	vand.u32 $0xFFFF, v1  }
0x84: {  	v1 =	vshrl.u32 v1, $0x10;
	[tilespmem:$0x16570] =	vst v2  }
0x85: {  	[tilespmem:$0x16670] =	vst v1  }
0x86: {  	[tilespmem:s28], [sflag:$0x2] =	stream.indirect.gather [hbm4b:s1+s24], $0x80, s26, s24, $0xb8;
	[tilespmem:$0x1E680] =	vst v63  }
0x87: {  	_ =	swait.ge [sflag:s22], $0x4000  }
0x88: {  	[sflag:s22] =	ssyncset.done $0x0  }
0x89: {  	[sflag:s22] =	ssyncadd.s32 $0xFFFFC000  }
0x8a: {  	[spmem:s3] =	stream.indirect.scatter.add.f32 [tilespmem:s21], [sflag:$0x3], $0x80, s29, s24, $0xb8;
	[tilespmem:$0x1E680] =	vst v63  }
0x8b: {  	_ =	swait.ge [sflag:s30], $0x4000  }
0x8c: {  	p2 =	por $0x0, $0x0;
	[sflag:s30] =	ssyncset.done $0x0  }
0x8d: {  	s20 =	simm.s32 @!p2 $0x0;
	[sflag:s30] =	ssyncadd.s32 $0xFFFFC000  }
0x8e: {  	v1 =	vld @!p2 [tilespmem:s20+$0x13D80];
	_ =	sdelay $0x4  }
0x8f: {  	v2 =	vand.u32 @!p2 $0xFFFF, v1  }
0x90: {  	v1 =	vshrl.u32 @!p2 v1, $0x10;
	[tilespmem:$0x16480] =	vst @!p2 v2  }
0x91: {  	[tilespmem:$0x16580] =	vst @!p2 v1  }
0x92: {  	v1 =	vld @!p2 [tilespmem:s20+$0x13D90];
	_ =	sdelay $0x4  }
0x93: {  	v2 =	vand.u32 @!p2 $0xFFFF, v1  }
0x94: {  	v1 =	vshrl.u32 @!p2 v1, $0x10;
	[tilespmem:$0x16490] =	vst @!p2 v2  }
0x95: {  	[tilespmem:$0x16590] =	vst @!p2 v1  }
0x96: {  	v1 =	vld @!p2 [tilespmem:s20+$0x13DA0];
	_ =	sdelay $0x4  }
0x97: {  	v2 =	vand.u32 @!p2 $0xFFFF, v1  }
0x98: {  	v1 =	vshrl.u32 @!p2 v1, $0x10;
	[tilespmem:$0x164A0] =	vst @!p2 v2  }
0x99: {  	[tilespmem:$0x165A0] =	vst @!p2 v1  }
0x9a: {  	v1 =	vld @!p2 [tilespmem:s20+$0x13DB0];
	_ =	sdelay $0x4  }
0x9b: {  	v2 =	vand.u32 @!p2 $0xFFFF, v1  }
0x9c: {  	v1 =	vshrl.u32 @!p2 v1, $0x10;
	[tilespmem:$0x164B0] =	vst @!p2 v2  }
0x9d: {  	[tilespmem:$0x165B0] =	vst @!p2 v1  }
0x9e: {  	v1 =	vld @!p2 [tilespmem:s20+$0x13DC0];
	_ =	sdelay $0x4  }
0x9f: {  	v2 =	vand.u32 @!p2 $0xFFFF, v1  }
0xa0: {  	v1 =	vshrl.u32 @!p2 v1, $0x10;
	[tilespmem:$0x164C0] =	vst @!p2 v2  }
0xa1: {  	[tilespmem:$0x165C0] =	vst @!p2 v1  }
0xa2: {  	v1 =	vld @!p2 [tilespmem:s20+$0x13DD0];
	_ =	sdelay $0x4  }
0xa3: {  	v2 =	vand.u32 @!p2 $0xFFFF, v1  }
0xa4: {  	v1 =	vshrl.u32 @!p2 v1, $0x10;
	[tilespmem:$0x164D0] =	vst @!p2 v2  }
0xa5: {  	[tilespmem:$0x165D0] =	vst @!p2 v1  }
0xa6: {  	v1 =	vld @!p2 [tilespmem:s20+$0x13DE0];
	_ =	sdelay $0x4  }
0xa7: {  	s13 =	simm.s32 @!p2 $0x16680;
	v2 =	vand.u32 @!p2 $0xFFFF, v1  }
0xa8: {  	s0 =	simm.s32 $0x400;
	s12 =	simm.s32 @!p2 $0x16480;
	s5 =	simm.s32 @!p2 $0x80;
	v1 =	vshrl.u32 @!p2 v1, $0x10;
	[tilespmem:$0x164E0] =	vst @!p2 v2  }
.LBB2_4:
0xa9: {  	[tilespmem:$0x165E0] =	vst @!p2 v1;
	s25 =	smov.u32 s0;
	s0 =	sadd.s32 $0x400, s0  }
0xaa: {  	p1 =	sne.s32 s0, $0xA000;
	v1 =	vld @!p2 [tilespmem:s20+$0x13DF0];
	_ =	sdelay $0x4  }
0xab: {  	v2 =	vand.u32 @!p2 $0xFFFF, v1;
	v1 =	vshrl.u32 @!p2 v1, $0x10  }
0xac: {  	[tilespmem:$0x164F0] =	vst @!p2 v2  }
0xad: {  	[tilespmem:$0x165F0] =	vst @!p2 v1  }
0xae: {  	[tilespmem:s13], [sflag:$0x1] =	stream.indirect.gather @!p2 [hbm4b:s1+s5], $0x80, s12, s5, $0xb8;
	[tilespmem:$0x1E680] =	vst v63  }
0xaf: {  	_ =	swait.ge [sflag:s23], $0x4000  }
0xb0: {  	[sflag:s23] =	ssyncset.done $0x0  }
0xb1: {  	[sflag:s23] =	ssyncadd.s32 $0xFFFFC000  }
0xb2: {  	[spmem:s3] =	stream.indirect.scatter.add.f32 [tilespmem:s28], [sflag:$0x3], $0x80, s31, s24, $0xb8;
	[tilespmem:$0x1E680] =	vst v63  }
0xb3: {  	_ =	swait.ge [sflag:s30], $0x4000  }
0xb4: {  	[sflag:s30] =	ssyncset.done $0x0  }
0xb5: {  	s20 =	sshra.s32 s25, $0x2;
	[sflag:s30] =	ssyncadd.s32 $0xFFFFC000  }
0xb6: {  	v1 =	vld [tilespmem:s20+$0x13D00];
	_ =	sdelay $0x4  }
0xb7: {  	v2 =	vand.u32 $0xFFFF, v1;
	v1 =	vshrl.u32 v1, $0x10  }
0xb8: {  	[tilespmem:$0x16500] =	vst v2  }
0xb9: {  	[tilespmem:$0x16600] =	vst v1  }
0xba: {  	v1 =	vld [tilespmem:s20+$0x13D10];
	_ =	sdelay $0x4  }
0xbb: {  	v2 =	vand.u32 $0xFFFF, v1;
	v1 =	vshrl.u32 v1, $0x10  }
0xbc: {  	[tilespmem:$0x16510] =	vst v2  }
0xbd: {  	[tilespmem:$0x16610] =	vst v1  }
0xbe: {  	v1 =	vld [tilespmem:s20+$0x13D20];
	_ =	sdelay $0x4  }
0xbf: {  	v2 =	vand.u32 $0xFFFF, v1;
	v1 =	vshrl.u32 v1, $0x10  }
0xc0: {  	[tilespmem:$0x16520] =	vst v2  }
0xc1: {  	[tilespmem:$0x16620] =	vst v1  }
0xc2: {  	v1 =	vld [tilespmem:s20+$0x13D30];
	_ =	sdelay $0x4  }
0xc3: {  	v2 =	vand.u32 $0xFFFF, v1;
	v1 =	vshrl.u32 v1, $0x10  }
0xc4: {  	[tilespmem:$0x16530] =	vst v2  }
0xc5: {  	[tilespmem:$0x16630] =	vst v1  }
0xc6: {  	v1 =	vld [tilespmem:s20+$0x13D40];
	_ =	sdelay $0x4  }
0xc7: {  	v2 =	vand.u32 $0xFFFF, v1;
	v1 =	vshrl.u32 v1, $0x10  }
0xc8: {  	[tilespmem:$0x16540] =	vst v2  }
0xc9: {  	[tilespmem:$0x16640] =	vst v1  }
0xca: {  	v1 =	vld [tilespmem:s20+$0x13D50];
	_ =	sdelay $0x4  }
0xcb: {  	v2 =	vand.u32 $0xFFFF, v1;
	v1 =	vshrl.u32 v1, $0x10  }
0xcc: {  	[tilespmem:$0x16550] =	vst v2  }
0xcd: {  	[tilespmem:$0x16650] =	vst v1  }
0xce: {  	v1 =	vld [tilespmem:s20+$0x13D60];
	_ =	sdelay $0x4  }
0xcf: {  	v2 =	vand.u32 $0xFFFF, v1;
	v1 =	vshrl.u32 v1, $0x10  }
0xd0: {  	[tilespmem:$0x16560] =	vst v2  }
0xd1: {  	[tilespmem:$0x16660] =	vst v1  }
0xd2: {  	v1 =	vld [tilespmem:s20+$0x13D70];
	_ =	sdelay $0x4  }
0xd3: {  	v2 =	vand.u32 $0xFFFF, v1;
	v1 =	vshrl.u32 v1, $0x10  }
0xd4: {  	p2 =	seq.s32 s25, $0x9C00;
	[tilespmem:$0x16570] =	vst v2  }
0xd5: {  	s20 =	sshra.s32 @!p2 s25, $0x2;
	[tilespmem:$0x16670] =	vst v1  }
0xd6: {  	[tilespmem:s28], [sflag:$0x2] =	stream.indirect.gather [hbm4b:s1+s24], $0x80, s26, s24, $0xb8;
	[tilespmem:$0x1E680] =	vst v63  }
0xd7: {  	_ =	swait.ge [sflag:s22], $0x4000  }
0xd8: {  	[sflag:s22] =	ssyncset.done $0x0  }
0xd9: {  	[sflag:s22] =	ssyncadd.s32 $0xFFFFC000  }
0xda: {  	[spmem:s3] =	stream.indirect.scatter.add.f32 [tilespmem:s21], [sflag:$0x3], $0x80, s29, s24, $0xb8;
	[tilespmem:$0x1E680] =	vst v63  }
0xdb: {  	_ =	swait.ge [sflag:s30], $0x4000  }
0xdc: {  	[sflag:s30] =	ssyncset.done $0x0  }
0xdd: {  	[sflag:s30] =	ssyncadd.s32 $0xFFFFC000  }
0xde: {  	v1 =	vld @!p2 [tilespmem:s20+$0x13D80];
	_ =	sdelay $0x4  }
0xdf: {  	v2 =	vand.u32 @!p2 $0xFFFF, v1;
	v1 =	vshrl.u32 @!p2 v1, $0x10  }
0xe0: {  	[tilespmem:$0x16480] =	vst @!p2 v2  }
0xe1: {  	[tilespmem:$0x16580] =	vst @!p2 v1  }
0xe2: {  	v1 =	vld @!p2 [tilespmem:s20+$0x13D90];
	_ =	sdelay $0x4  }
0xe3: {  	v2 =	vand.u32 @!p2 $0xFFFF, v1;
	v1 =	vshrl.u32 @!p2 v1, $0x10  }
0xe4: {  	[tilespmem:$0x16490] =	vst @!p2 v2  }
0xe5: {  	[tilespmem:$0x16590] =	vst @!p2 v1  }
0xe6: {  	v1 =	vld @!p2 [tilespmem:s20+$0x13DA0];
	_ =	sdelay $0x4  }
0xe7: {  	v2 =	vand.u32 @!p2 $0xFFFF, v1;
	v1 =	vshrl.u32 @!p2 v1, $0x10  }
0xe8: {  	[tilespmem:$0x164A0] =	vst @!p2 v2  }
0xe9: {  	[tilespmem:$0x165A0] =	vst @!p2 v1  }
0xea: {  	v1 =	vld @!p2 [tilespmem:s20+$0x13DB0];
	_ =	sdelay $0x4  }
0xeb: {  	v2 =	vand.u32 @!p2 $0xFFFF, v1;
	v1 =	vshrl.u32 @!p2 v1, $0x10  }
0xec: {  	[tilespmem:$0x164B0] =	vst @!p2 v2  }
0xed: {  	[tilespmem:$0x165B0] =	vst @!p2 v1  }
0xee: {  	v1 =	vld @!p2 [tilespmem:s20+$0x13DC0];
	_ =	sdelay $0x4  }
0xef: {  	v2 =	vand.u32 @!p2 $0xFFFF, v1;
	v1 =	vshrl.u32 @!p2 v1, $0x10  }
0xf0: {  	[tilespmem:$0x164C0] =	vst @!p2 v2  }
0xf1: {  	[tilespmem:$0x165C0] =	vst @!p2 v1  }
0xf2: {  	v1 =	vld @!p2 [tilespmem:s20+$0x13DD0];
	_ =	sdelay $0x4  }
0xf3: {  	v2 =	vand.u32 @!p2 $0xFFFF, v1;
	v1 =	vshrl.u32 @!p2 v1, $0x10  }
0xf4: {  	[tilespmem:$0x164D0] =	vst @!p2 v2  }
0xf5: {  	s5 =	simm.s32 @!p2 $0x80;
	s12 =	simm.s32 @!p2 $0x16480;
	s13 =	simm.s32 @!p2 $0x16680;
	[tilespmem:$0x165D0] =	vst @!p2 v1  }
0xf6: {  	v1 =	vld @!p2 [tilespmem:s20+$0x13DE0];
	_ =	sdelay $0x1  }
.Ltmp1:
0xf7: {  	(pc) =	sbr.rel @p1 .LBB2_4-.Ltmp1, $3  }
0xf8: {  	_ =	sdelay $0x1  }
0xf9: {  	v2 =	vand.u32 @!p2 $0xFFFF, v1;
	v1 =	vshrl.u32 @!p2 v1, $0x10  }
0xfa: {  	[tilespmem:$0x164E0] =	vst @!p2 v2  }
0xfb: {  	[tilespmem:$0x165E0] =	vst @!p2 v1  }
0xfc: {  	v1 =	vld @!p2 [tilespmem:s20+$0x13DF0];
	_ =	sdelay $0x4  }
0xfd: {  	v2 =	vand.u32 @!p2 $0xFFFF, v1  }
0xfe: {  	v1 =	vshrl.u32 @!p2 v1, $0x10;
	[tilespmem:$0x164F0] =	vst @!p2 v2  }
0xff: {  	[tilespmem:$0x165F0] =	vst @!p2 v1  }
0x100: {  	[tilespmem:s13], [sflag:$0x1] =	stream.indirect.gather @!p2 [hbm4b:s1+s5], $0x80, s12, s5, $0xb8;
	[tilespmem:$0x1E680] =	vst v63  }
0x101: {  	_ =	swait.ge [sflag:s23], $0x4000  }
0x102: {  	[sflag:s23] =	ssyncset.done $0x0  }
0x103: {  	[sflag:s23] =	ssyncadd.s32 $0xFFFFC000  }
0x104: {  	[spmem:s3] =	stream.indirect.scatter.add.f32 [tilespmem:s28], [sflag:$0x3], $0x80, s31, s24, $0xb8;
	[tilespmem:$0x1E680] =	vst v63  }
0x105: {  	_ =	swait.ge [sflag:s30], $0x4000  }
0x106: {  	[sflag:s30] =	ssyncset.done $0x0  }
0x107: {  	[sflag:s30] =	ssyncadd.s32 $0xFFFFC000  }
0x108: {  	[bflag:$0x0] =	sbarrier.arrive $0xFFFF  }
0x109: {  	[tilespmem:s21], [sflag:$0x3] =	stream.linear.gather [spmem:s6], $0x4000, $0x38;
	[tilespmem:$0x1E680] =	vst v63  }
0x10a: {  	_ =	swait.ge [sflag:s30], $0x4000  }
0x10b: {  	[sflag:s30] =	ssyncset.done $0x0  }
0x10c: {  	s0 =	rddreg [dreg:$0x7];
	[sflag:s30] =	ssyncadd.s32 $0xFFFFC000  }
0x10d: {  	[hbm4b:s0+s4] =	stream.linear.scatter [tilespmem:s21], [sflag:$0x1], $0x4000, $0x38;
	[tilespmem:$0x1E680] =	vst v63  }
0x10e: {  	_ = 	snop  }
0x10f: {  	[tilespmem:s28], [sflag:$0x3] =	stream.linear.gather [spmem:s7], $0x4000, $0x38;
	[tilespmem:$0x1E680] =	vst v63  }
0x110: {  	_ =	swait.ge [sflag:s30], $0x4000  }
0x111: {  	[sflag:s30] =	ssyncset.done $0x0  }
0x112: {  	[sflag:s30] =	ssyncadd.s32 $0xFFFFC000  }
0x113: {  	[hbm4b:s14+s4] =	stream.linear.scatter [tilespmem:s28], [sflag:$0x2], $0x4000, $0x38;
	[tilespmem:$0x1E680] =	vst v63  }
0x114: {  	_ =	swait.ge [sflag:s22], $0x4000  }
0x115: {  	[sflag:s22] =	ssyncset.done $0x0  }
0x116: {  	[sflag:s22] =	ssyncadd.s32 $0xFFFFC000  }
0x117: {  	[tilespmem:s21], [sflag:$0x3] =	stream.linear.gather [spmem:s8], $0x4000, $0x38;
	[tilespmem:$0x1E680] =	vst v63  }
0x118: {  	_ =	swait.ge [sflag:s30], $0x4000  }
0x119: {  	[sflag:s30] =	ssyncset.done $0x0  }
0x11a: {  	[sflag:s30] =	ssyncadd.s32 $0xFFFFC000  }
0x11b: {  	[hbm4b:s15+s4] =	stream.linear.scatter [tilespmem:s21], [sflag:$0x1], $0x4000, $0x38;
	[tilespmem:$0x1E680] =	vst v63  }
0x11c: {  	_ =	swait.ge [sflag:s23], $0x4000  }
0x11d: {  	[sflag:s23] =	ssyncset.done $0x0  }
0x11e: {  	[sflag:s23] =	ssyncadd.s32 $0xFFFFC000  }
0x11f: {  	[tilespmem:s28], [sflag:$0x3] =	stream.linear.gather [spmem:s9], $0x4000, $0x38;
	[tilespmem:$0x1E680] =	vst v63  }
0x120: {  	_ =	swait.ge [sflag:s30], $0x4000  }
0x121: {  	[sflag:s30] =	ssyncset.done $0x0  }
0x122: {  	[sflag:s30] =	ssyncadd.s32 $0xFFFFC000  }
0x123: {  	[hbm4b:s16+s4] =	stream.linear.scatter [tilespmem:s28], [sflag:$0x2], $0x4000, $0x38;
	[tilespmem:$0x1E680] =	vst v63  }
0x124: {  	_ =	swait.ge [sflag:s22], $0x4000  }
0x125: {  	[sflag:s22] =	ssyncset.done $0x0  }
0x126: {  	[sflag:s22] =	ssyncadd.s32 $0xFFFFC000  }
0x127: {  	[tilespmem:s21], [sflag:$0x3] =	stream.linear.gather [spmem:s10], $0x3800, $0x38;
	[tilespmem:$0x1E680] =	vst v63  }
0x128: {  	_ =	swait.ge [sflag:s30], $0x3800  }
0x129: {  	[sflag:s30] =	ssyncset.done $0x0  }
0x12a: {  	[sflag:s30] =	ssyncadd.s32 $0xFFFFC800  }
0x12b: {  	[hbm4b:s17+s4] =	stream.linear.scatter [tilespmem:s21], [sflag:$0x1], $0x3800, $0x38;
	[tilespmem:$0x1E680] =	vst v63  }
0x12c: {  	_ =	swait.ge [sflag:s22], $0x3800  }
0x12d: {  	[sflag:s22] =	ssyncset.done $0x0  }
0x12e: {  	[sflag:s22] =	ssyncadd.s32 $0xFFFFC800  }
0x12f: {  	_ =	swait.ge [sflag:s23], $0x4000  }
0x130: {  	[sflag:s23] =	ssyncset.done $0x0  }
0x131: {  	s5 =	simm.s32 @!p0 $0x3;
	s0 =	simm.s32 @!p0 $0x16680;
	[sflag:s23] =	ssyncadd.s32 $0xFFFFC000  }
0x132: {  	[tilespmem:s0], [sflag:$0x3] =	stream.linear.gather @!p0 [spmem:s11], $0x800, $0x38;
	[tilespmem:$0x1E680] =	vst v63  }
0x133: {  	s2 =	sadd.s32 $0x1, s2;
	_ =	swait.ge @!p0 [sflag:s5], $0x800  }
0x134: {  	p1 =	sne.s32 s2, s19;
	[sflag:s5] =	ssyncset.done @!p0 $0x0  }
.Ltmp2:
0x135: {  	s12 =	simm.s32 @!p0 $0x0;
	[sflag:s5] =	ssyncadd.s32 @!p0 $0xFFFFF800;
	(pc) =	sbr.rel @p1 .LBB2_1-.Ltmp2, $4  }
0x136: {  	[hbm4b:s18+s12] =	stream.linear.scatter @!p0 [tilespmem:s0], [sflag:$0x3], $0x800, $0x38;
	[tilespmem:$0x1E680] =	vst v63  }
0x137: {  	_ =	swait.ge @!p0 [sflag:s5], $0x800  }
0x138: {  	[sflag:s5] =	ssyncset.done @!p0 $0x0  }
0x139: {  	[sflag:s5] =	ssyncadd.s32 @!p0 $0xFFFFF800  }
0x13a: {  	_ =	sfence.sel $0x180000  }
0x13b: {  	[bflag:$0x0] =	sbarrier.arrive $0xFFFF  }
0x13c: {  	_ =	strace $0x90000047  }
0x13d: {  	s0 =	stileid.u32;
	[bflag:$0x2] =	sbarrier.arrive $0xFFFF  }
0x13e: {  	p0 =	sne.s32 s0, $0x0;
	s0 =	rddreg [dreg:$0x4]  }
0x13f: {  	s0 =	sadd.s32 @!p0 $0x100000, s0  }
0x140: {  	[sflag:s0] =	ssyncadd.tile.s32 @!p0 $0x1;
	_ =	shalt  }
.Lfunc_end2:
_tile_overlayer_lowered:
.L_overlay_start_2:
0x141: {  	(tag) =	ssettag $0x2  }
0x142: {  	s0 =	rddreg [dreg:$0x0];
	s2 =	stileid.u32  }
0x143: {  	s1 =	rddreg [dreg:$0x1];
	p0 =	sne.s32 s2, $0x0  }
0x144: {  	s3 =	rddreg [dreg:$0x2];
	[bflag:$0x3] =	sbarrier.arrive $0xFFFF;
	s2 =	simm.s32 @!p0 $0x1C03  }
0x145: {  	[timem:s3], [sflag:s2] =	dma.local @!p0 [hbm:s0], s1  }
0x146: {  	s0 =	simm.s32 @!p0 $0x3  }
0x147: {  	_ =	swait.ge @!p0 [sflag:s0], s1  }
0x148: {  	s1 =	ssub.s32 @!p0 $0x0, s1;
	[sflag:s0] =	ssyncset.done @!p0 $0x0  }
0x149: {  	[sflag:s0] =	ssyncadd.s32 @!p0 s1  }
0x14a: {  	[bflag:$0x3] =	sbarrier.arrive $0xFFFF  }
0x14b: {  	_ =	shalt  }

</sc_bundles>
